<compile_context>
chip_gen: v7x
topology: tpu7x:2x2x1
jax: 0.10.2.dev20260603
libtpu: 0.0.44.dev20260713+nightly
codegen_flags: <defaults>
</compile_context>

<pallas_src>
import functools

import jax
import jax.numpy as jnp
import numpy as np
from jax import lax
from jax.experimental import pallas as pl
from jax.experimental.pallas import tpu as pltpu
from jax.experimental.pallas import tpu_sc as plsc

_RADIUS = 0.2
_NSAMPLE = 32
_REDUCE = 4

_INTERPRET = False



def _fps_body(xt_ref, idx_ref, nxyz_ref):
    _, B, N = xt_ref.shape
    S = idx_ref.shape[1]
    x = xt_ref[0]
    y = xt_ref[1]
    z = xt_ref[2]
    iota = jax.lax.broadcasted_iota(jnp.int32, (B, N), 1)
    lane = jax.lax.broadcasted_iota(jnp.int32, (B, 128), 1)

    def body(t, carry):
        dists, far, acci, accx, accy, accz = carry
        ins = lane == t
        acci = jnp.where(ins, far, acci)
        m = iota == far
        cx = jnp.sum(jnp.where(m, x, 0.0), axis=1, keepdims=True)
        cy = jnp.sum(jnp.where(m, y, 0.0), axis=1, keepdims=True)
        cz = jnp.sum(jnp.where(m, z, 0.0), axis=1, keepdims=True)
        accx = jnp.where(ins, cx, accx)
        accy = jnp.where(ins, cy, accy)
        accz = jnp.where(ins, cz, accz)
        dx = x - cx
        dy = y - cy
        dz = z - cz
        d = dx * dx + dy * dy + dz * dz
        dists = jnp.minimum(dists, d)
        mx = jnp.max(dists, axis=1, keepdims=True)
        far = jnp.min(jnp.where(dists == mx, iota, N), axis=1, keepdims=True)
        return dists, far, acci, accx, accy, accz

    dists = jnp.full((B, N), 1e10, dtype=jnp.float32)
    far = jnp.zeros((B, 1), dtype=jnp.int32)
    zi = jax.lax.broadcasted_iota(jnp.int32, (B, 128), 0) * jax.lax.broadcasted_iota(jnp.int32, (B, 128), 1)
    zf = zi.astype(jnp.float32)
    carry = (dists, far, zi, zf, zf, zf)
    for j in range(S // 128):
        carry = jax.lax.fori_loop(0, 128, body, carry)
        dists, far, acci, accx, accy, accz = carry
        idx_ref[:, j * 128:(j + 1) * 128] = acci
        nxyz_ref[0, :, j * 128:(j + 1) * 128] = accx
        nxyz_ref[1, :, j * 128:(j + 1) * 128] = accy
        nxyz_ref[2, :, j * 128:(j + 1) * 128] = accz


def _fps_pallas(xt, S):
    _, B, N = xt.shape
    return pl.pallas_call(
        _fps_body,
        out_shape=(
            jax.ShapeDtypeStruct((B, S), jnp.int32),
            jax.ShapeDtypeStruct((3, B, S), jnp.float32),
        ),
        interpret=_INTERPRET,
    )(xt)



_QT = 256
_BIG = 4096.0


def _ballq_body(q_ref, s_ref, qn_ref, sn_ref, o_ref, cand_ref):
    QT = q_ref.shape[1]
    N = s_ref.shape[1]
    K = _NSAMPLE
    r2 = np.float32(_RADIUS * _RADIUS)
    q = q_ref[0]
    s = s_ref[0]
    qn = qn_ref[0]
    sn = sn_ref[0]
    dot = jax.lax.dot_general(q, s, (((1,), (1,)), ((), ())),
                              preferred_element_type=jnp.float32)
    sqd = (qn + sn) - 2.0 * dot
    iotaf = jax.lax.broadcasted_iota(jnp.int32, (QT, N), 1).astype(jnp.float32)
    cand_ref[...] = jnp.where(sqd < r2, iotaf, _BIG)
    lane = jax.lax.broadcasted_iota(jnp.int32, (QT, K), 1)

    def ext(j, carry):
        mnp, acc = carry
        c = cand_ref[...]
        c = jnp.where(c == mnp, _BIG, c)
        cand_ref[...] = c
        mn = jnp.min(c, axis=1, keepdims=True)
        acc = jnp.where(lane == j, mn, acc)
        return mn, acc

    mn0 = qn * 0.0 - 1.0
    acc0 = jnp.broadcast_to(qn, (QT, K)) + lane.astype(jnp.float32)
    _, acc = jax.lax.fori_loop(0, K, ext, (mn0, acc0))
    first = acc[:, 0:1]
    first = jnp.where(first == _BIG, 0.0, first)
    accf = jnp.where(acc == _BIG, first, acc)
    o_ref[0] = accf.astype(jnp.int32)


def _ballq_pallas(new_xyz, xyz, qn, sn):
    B, S, _ = new_xyz.shape
    N = xyz.shape[1]
    nt = S // _QT
    return pl.pallas_call(
        _ballq_body,
        grid=(B, nt),
        in_specs=[
            pl.BlockSpec((1, _QT, 3), lambda b, t: (b, t, 0)),
            pl.BlockSpec((1, N, 3), lambda b, t: (b, 0, 0)),
            pl.BlockSpec((1, _QT, 1), lambda b, t: (b, t, 0)),
            pl.BlockSpec((1, 1, N), lambda b, t: (b, 0, 0)),
        ],
        out_specs=pl.BlockSpec((1, _QT, _NSAMPLE), lambda b, t: (b, t, 0)),
        out_shape=jax.ShapeDtypeStruct((B, S, _NSAMPLE), jnp.int32),
        scratch_shapes=[pltpu.VMEM((_QT, N), jnp.float32)],
        interpret=_INTERPRET,
    )(new_xyz, xyz, qn, sn)



def _gatherstats_sc(pts_rows, idxf, fpsf, B, N, C):
    RK = idxf.shape[0]
    R = fpsf.shape[0]
    K = _NSAMPLE
    NW = 32
    rk_w = RK // NW
    q_w = R // NW
    wpb = NW // B
    CH = 128
    nch = rk_w // CH
    mesh = plsc.VectorSubcoreMesh(core_axis_name="c", subcore_axis_name="s")

    @functools.partial(
        pl.kernel, mesh=mesh,
        out_type=(
            jax.ShapeDtypeStruct((RK, C), jnp.float32),
            jax.ShapeDtypeStruct((R * C,), jnp.float32),
            jax.ShapeDtypeStruct((R, C), jnp.float32),
            jax.ShapeDtypeStruct((NW, 16), jnp.float32),
        ),
        scratch_types=[
            pltpu.VMEM((CH,), jnp.int32),
            pltpu.VMEM((CH, 128), jnp.float32),
            pltpu.VMEM((256 * 128,), jnp.float32),
            pltpu.VMEM((16,), jnp.float32),
            pltpu.SemaphoreType.DMA,
        ],
    )
    def k(pts_hbm, idx_hbm, fps_hbm, gat_hbm, ksum_hbm, newp_hbm, sq_hbm,
          idxv, rows, ksb, sqv, sem):
        wid = lax.axis_index("s") * 2 + lax.axis_index("c")
        b = wid // wpb
        bN = b * N
        ro = wid * rk_w
        qo = wid * q_w
        zero16 = jnp.zeros((16,), jnp.float32)

        def zb(i, _):
            ksb[pl.ds(i * 16, 16)] = zero16
            return 0
        lax.fori_loop(0, (q_w * C) // 16, zb, 0)

        def chunk(t, sqacc):
            pltpu.sync_copy(idx_hbm.at[pl.ds(ro + t * CH, CH)], idxv)

            def addb(u, _):
                idxv[pl.ds(u * 16, 16)] = idxv[pl.ds(u * 16, 16)] + bN
                return 0
            lax.fori_loop(0, CH // 16, addb, 0)

            pltpu.async_copy(pts_hbm.at[idxv], rows, sem).wait()
            pltpu.sync_copy(rows, gat_hbm.at[pl.ds(ro + t * CH, CH)])

            def row_acc(r, sqa):
                qrow = t * (CH // K) + r // K

                def lane_acc(l, sqa2):
                    v = rows[r, pl.ds(l * 16, 16)]
                    a = ksb[pl.ds(qrow * C + l * 16, 16)]
                    ksb[pl.ds(qrow * C + l * 16, 16)] = a + v
                    return sqa2 + v * v
                return lax.fori_loop(0, C // 16, lane_acc, sqa)
            return lax.fori_loop(0, CH, row_acc, sqacc)

        sqacc = lax.fori_loop(0, nch, chunk, zero16)
        sqv[pl.ds(0, 16)] = sqacc
        pltpu.sync_copy(sqv, sq_hbm.at[wid])
        pltpu.sync_copy(ksb, ksum_hbm.at[pl.ds(qo * C, q_w * C)])

        def npchunk(t, _):
            pltpu.sync_copy(fps_hbm.at[pl.ds(qo + t * CH, CH)], idxv)

            def addb(u, _):
                idxv[pl.ds(u * 16, 16)] = idxv[pl.ds(u * 16, 16)] + bN
                return 0
            lax.fori_loop(0, CH // 16, addb, 0)
            pltpu.async_copy(pts_hbm.at[idxv], rows, sem).wait()
            pltpu.sync_copy(rows, newp_hbm.at[pl.ds(qo + t * CH, CH)])
            return 0
        lax.fori_loop(0, q_w // CH, npchunk, 0)

    return k(pts_rows, idxf, fpsf)



def _std_body(ks_ref, sq_ref, o_ref):
    B = ks_ref.shape[0]
    ks = ks_ref[...]
    sq = sq_ref[...]
    M = ks.shape[1] * _NSAMPLE * ks.shape[2]
    sumsq_g = jnp.sum(sq, axis=1, keepdims=True)
    ks2 = jnp.sum(ks * ks, axis=2)
    sum_ks2 = jnp.sum(ks2, axis=1, keepdims=True)
    tot = sumsq_g - sum_ks2 * (1.0 / _NSAMPLE)
    std = jnp.sqrt(tot * (1.0 / (M - 1)))
    o_ref[...] = jnp.broadcast_to((std + 1e-5)[:, :, None], (B, 1, 128))


def _std_pallas(ksum3, sqpart):
    B = ksum3.shape[0]
    return pl.pallas_call(
        _std_body,
        out_shape=jax.ShapeDtypeStruct((B, 1, 128), jnp.float32),
        interpret=_INTERPRET,
    )(ksum3, sqpart)



_FT = 64


def _fin_body(gat_ref, ks_ref, np_ref, std_ref, al_ref, be_ref, o_ref):
    K = _NSAMPLE
    C = gat_ref.shape[1]
    g = gat_ref[...].reshape(_FT, K, C)
    mean = ks_ref[...] * (1.0 / K)
    y = g - mean[:, None, :]
    stdb = std_ref[0, 0, 0]
    al = al_ref[0]
    be = be_ref[0]
    left = (y / stdb) * al + be
    o_ref[:, 0:C] = left.reshape(_FT * K, C)
    rep = jnp.broadcast_to(np_ref[...][:, None, :], (_FT, K, C))
    o_ref[:, C:2 * C] = rep.reshape(_FT * K, C)


def _finalize_pallas(gat, ksum, newp, stdb, alpha2, beta2, B):
    RK, C = gat.shape
    R = ksum.shape[0]
    K = _NSAMPLE
    nt = R // _FT
    tpb = nt // B
    return pl.pallas_call(
        _fin_body,
        grid=(nt,),
        in_specs=[
            pl.BlockSpec((_FT * K, C), lambda t: (t, 0)),
            pl.BlockSpec((_FT, C), lambda t: (t, 0)),
            pl.BlockSpec((_FT, C), lambda t: (t, 0)),
            pl.BlockSpec((1, 1, 128), lambda t: (t // tpb, 0, 0)),
            pl.BlockSpec((1, C), lambda t: (0, 0)),
            pl.BlockSpec((1, C), lambda t: (0, 0)),
        ],
        out_specs=pl.BlockSpec((_FT * K, 2 * C), lambda t: (t, 0)),
        out_shape=jax.ShapeDtypeStruct((RK, 2 * C), jnp.float32),
        interpret=_INTERPRET,
    )(gat, ksum, newp, stdb, alpha2, beta2)



def kernel(xyz, points, affine_alpha, affine_beta):
    B, N, _ = xyz.shape
    C = points.shape[1]
    S = N // _REDUCE
    K = _NSAMPLE

    xt = jnp.transpose(xyz, (2, 0, 1))
    fps_idx, nxyz3 = _fps_pallas(xt, S)
    new_xyz = jnp.transpose(nxyz3, (1, 2, 0))

    qn = jnp.sum(new_xyz ** 2, axis=-1)[:, :, None]
    sn = jnp.sum(xyz ** 2, axis=-1)[:, None, :]
    idx = _ballq_pallas(new_xyz, xyz, qn, sn)
    idxf = idx.reshape(B * S * K)

    pts_rows = jnp.transpose(points, (0, 2, 1)).reshape(B * N, C)
    gat, ksum, newp, sqpart = _gatherstats_sc(
        pts_rows, idxf, fps_idx.reshape(-1), B, N, C)

    stdb = _std_pallas(ksum.reshape(B, S, C), sqpart.reshape(B, (32 // B) * 16))

    out = _finalize_pallas(gat, ksum.reshape(B * S, C), newp, stdb,
                           affine_alpha.reshape(1, C), affine_beta.reshape(1, C), B)
    return (new_xyz, out.reshape(B, S, K, 2 * C))

# --- scband reference (transcript-rebuilt; emitter-appended) ---
"""Pipeline reference for scband-pointset-grouper-formal-78271484002329 (READ-ONLY COPY).

The authoritative reference and input builder live on the scoring server;
editing this copy changes nothing except your own understanding.
"""

import jax, jax.numpy as jnp
import numpy as np

RADIUS = 0.2
NSAMPLE = 32
REDUCE = 4


def fps(xyz, npoint):
    B, N, _ = xyz.shape

    def body(i, state):
        dists, idxs, farthest = state
        idxs = idxs.at[:, i].set(farthest)
        centroid = jnp.take_along_axis(xyz, farthest[:, None, None], axis=1)  # (B,1,3)
        d = jnp.sum((xyz - centroid) ** 2, axis=-1)  # (B,N)
        dists = jnp.minimum(dists, d)
        farthest = jnp.argmax(dists, axis=-1).astype(jnp.int32)
        return (dists, idxs, farthest)

    state = (jnp.full((B, N), 1e10, dtype=jnp.float32),
             jnp.zeros((B, npoint), dtype=jnp.int32),
             jnp.zeros((B,), dtype=jnp.int32))
    _, idxs, _ = jax.lax.fori_loop(0, npoint, body, state)
    return idxs


def ball_query(radius, nsample, xyz, new_xyz):
    # xyz: (B,N,3) support; new_xyz: (B,S,3) queries -> idx (B,S,nsample) int32
    B, N, _ = xyz.shape
    sqd = (jnp.sum(new_xyz ** 2, axis=-1)[:, :, None]
           + jnp.sum(xyz ** 2, axis=-1)[:, None, :]
           - 2.0 * jnp.einsum('bsd,bnd->bsn', new_xyz, xyz))
    mask = sqd < radius * radius
    cand = jnp.where(mask, jnp.arange(N, dtype=jnp.int32)[None, None, :], N)
    idx_sorted = jnp.sort(cand, axis=-1)[:, :, :nsample]
    first = idx_sorted[:, :, :1]
    idx = jnp.where(idx_sorted == N, first, idx_sorted)
    idx = jnp.where(idx == N, 0, idx)  # degenerate: no point in ball -> 0 (matches zero-init CUDA buffer)
    return idx


def group(features, idx):
    # features: (B,C,N); idx: (B,S,k) -> (B,C,S,k)
    def g(f, i):
        return f[:, i]
    return jax.vmap(g)(features, idx)


def setup_inputs(seed: int = 0) -> dict:
    key = jax.random.key(seed)
    k1, k2 = jax.random.split(key)
    xyz = jax.random.uniform(k1, (8, 4096, 3), dtype=jnp.float32)
    points = jax.random.normal(k2, (8, 128, 4096), dtype=jnp.float32)
    affine_alpha = jnp.ones((1, 1, 1, 128), dtype=jnp.float32)
    affine_beta = jnp.zeros((1, 1, 1, 128), dtype=jnp.float32)
    return {"xyz": xyz, "points": points, "affine_alpha": affine_alpha, "affine_beta": affine_beta}


def reference(xyz, points, affine_alpha, affine_beta):
    pts = jnp.transpose(points, (0, 2, 1))  # (B,N,C)
    B, N, C = pts.shape
    S = xyz.shape[1] // REDUCE
    fps_idx = fps(xyz, S)  # (B,S) int32
    new_xyz = jnp.take_along_axis(xyz, fps_idx[:, :, None], axis=1)      # (B,S,3)
    new_points = jnp.take_along_axis(pts, fps_idx[:, :, None], axis=1)   # (B,S,C)
    idx = ball_query(RADIUS, NSAMPLE, xyz, new_xyz)                       # (B,S,k)
    grouped_xyz = group(jnp.transpose(xyz, (0, 2, 1)), idx)               # (B,3,S,k)
    grouped_xyz = grouped_xyz - jnp.transpose(new_xyz, (0, 2, 1))[:, :, :, None]  # relative_xyz
    grouped_feats = group(points, idx)                                    # (B,C,S,k)
    grouped_xyz = jnp.transpose(grouped_xyz, (0, 2, 3, 1))                # (B,S,k,3)
    grouped_points = jnp.transpose(grouped_feats, (0, 2, 3, 1))           # (B,S,k,C)
    # normalize == 'center'
    mean = jnp.mean(grouped_points, axis=2, keepdims=True)
    std = jnp.std(jnp.reshape(grouped_points - mean, (B, -1)), axis=-1, ddof=1, keepdims=True)[:, :, None, None]
    grouped_points = (grouped_points - mean) / (std + 1e-5)
    grouped_points = affine_alpha * grouped_points + affine_beta
    rep = jnp.broadcast_to(new_points[:, :, None, :], (B, S, NSAMPLE, C))
    new_points_out = jnp.concatenate([grouped_points, rep], axis=-1)      # (B,S,k,2C)
    return (new_xyz, new_points_out)

if __name__ == "__main__":
    import jax
    _d = setup_inputs()
    print(jax.jit(kernel)(*tuple(_d.values())))

</pallas_src>

<mosaic_0001>
#map = affine_map<(d0, d1) -> (0, 0)>
#map1 = affine_map<(d0, d1) -> (0)>
module attributes {stable_mosaic.version = 14 : i64} {
  func.func @k(%arg0: i32, %arg1: i32, %arg2: memref<32768x128xf32, #tpu.memory_space<hbm>>, %arg3: memref<262144xi32, #tpu.memory_space<hbm>>, %arg4: memref<8192xi32, #tpu.memory_space<hbm>>, %arg5: memref<262144x128xf32, #tpu.memory_space<hbm>>, %arg6: memref<1048576xf32, #tpu.memory_space<hbm>>, %arg7: memref<8192x128xf32, #tpu.memory_space<hbm>>, %arg8: memref<32x16xf32, #tpu.memory_space<hbm>>, %arg9: memref<128xi32, #tpu.memory_space<vmem>>, %arg10: memref<128x128xf32, #tpu.memory_space<vmem>>, %arg11: memref<32768xf32, #tpu.memory_space<vmem>>, %arg12: memref<16xf32, #tpu.memory_space<vmem>>, %arg13: memref<!tpu.dma_semaphore, #tpu.memory_space<semaphore_mem>>) attributes {dimension_semantics = [#tpu.dimension_semantics<core_parallel>, #tpu.dimension_semantics<subcore_parallel>], iteration_bounds = array<i64: 2, 16>, scalar_prefetch = 0 : i64, scratch_operands = 5 : i64, tpu.core_type = #tpu.core_type<sc_vector_subcore>, window_params = [{transform_indices = #map}, {transform_indices = #map1}, {transform_indices = #map1}, {transform_indices = #map}, {transform_indices = #map1}, {transform_indices = #map}, {transform_indices = #map}]} {
    %mul3A = arith.constant 2 : i32
    %mul3A_0 = arith.muli %arg1, %mul3A : i32
    %add3A = arith.addi %mul3A_0, %arg0 : i32
    %jit3A = arith.constant 4 : i32
    %div3A = arith.divsi %add3A, %jit3A : i32
    %sign3A = arith.constant 0 : i32
    %sign3A_1 = arith.cmpi sgt, %add3A, %sign3A : i32
    %sign3A_2 = arith.extui %sign3A_1 : i1 to i32
    %sign3A_3 = arith.constant 0 : i32
    %sign3A_4 = arith.cmpi slt, %add3A, %sign3A_3 : i32
    %sign3A_5 = arith.extui %sign3A_4 : i1 to i32
    %sign3A_6 = arith.subi %sign3A_2, %sign3A_5 : i32
    %sign3A_7 = arith.constant 0 : i32
    %sign3A_8 = arith.cmpi sgt, %jit3A, %sign3A_7 : i32
    %sign3A_9 = arith.extui %sign3A_8 : i1 to i32
    %sign3A_10 = arith.constant 0 : i32
    %sign3A_11 = arith.cmpi slt, %jit3A, %sign3A_10 : i32
    %sign3A_12 = arith.extui %sign3A_11 : i1 to i32
    %sign3A_13 = arith.subi %sign3A_9, %sign3A_12 : i32
    %ne3A = arith.cmpi ne, %sign3A_6, %sign3A_13 : i32
    %rem3A = arith.remsi %add3A, %jit3A : i32
    %ne3A_14 = arith.constant 0 : i32
    %ne3A_15 = arith.cmpi ne, %rem3A, %ne3A_14 : i32
    %and3A = arith.andi %ne3A, %ne3A_15 : i1
    %sub3A = arith.constant 1 : i32
    %sub3A_16 = arith.subi %div3A, %sub3A : i32
    %select_n3A = arith.select %and3A, %sub3A_16, %div3A : i32
    %mul3A_17 = arith.constant 4096 : i32
    %mul3A_18 = arith.muli %select_n3A, %mul3A_17 : i32
    %mul3A_19 = arith.constant 8192 : i32
    %mul3A_20 = arith.muli %add3A, %mul3A_19 : i32
    %mul3A_21 = arith.constant 256 : i32
    %mul3A_22 = arith.muli %add3A, %mul3A_21 : i32
    %broadcast_in_dim3A = arith.constant 0.000000e+00 : f32
    %broadcast_in_dim3A_23 = vector.broadcast %broadcast_in_dim3A : f32 to vector<16xf32>
    %scan3A = arith.constant 0 : i32
    %scan3A_24 = arith.constant 0 : i32
    %scan3A_25 = arith.constant 2048 : i32
    %scan3A_26 = arith.addi %scan3A_24, %scan3A_25 : i32
    %scan3A_27 = arith.constant 1 : i32
    %scan3A_28 = scf.for %scan3A_48 = %scan3A_24 to %scan3A_26 step %scan3A_27 iter_args(%scan3A_49 = %scan3A) -> (i32)  : i32 {
      %mul3A_50 = arith.constant 16 : i32
      %mul3A_51 = arith.muli %scan3A_48, %mul3A_50 : i32
      %swap3A_52 = arith.index_cast %mul3A_51 : i32 to index
      %swap3A_53 = tpu.vector_load %arg11[%swap3A_52] {strides = array<i32>} : memref<32768xf32, #tpu.memory_space<vmem>>, vector<16xf32>,
      %swap3A_54 = vector.shape_cast %swap3A_53 : vector<16xf32> to vector<16xf32>
      %swap3A_55 = vector.shape_cast %broadcast_in_dim3A_23 : vector<16xf32> to vector<16xf32>
      tpu.vector_store %arg11[%swap3A_52], %swap3A_55 {strides = array<i32>} : memref<32768xf32, #tpu.memory_space<vmem>>, vector<16xf32>,
      %scan3A_56 = arith.constant 0 : i32
      scf.yield %scan3A_56 : i32
    }
    %scan3A_29 = arith.constant 2048 : i32
    %scan3A_30 = arith.constant 0 : i32
    %scan3A_31 = arith.constant 64 : i32
    %scan3A_32 = arith.addi %scan3A_30, %scan3A_31 : i32
    %scan3A_33 = arith.constant 1 : i32
    %scan3A_34 = scf.for %scan3A_48 = %scan3A_30 to %scan3A_32 step %scan3A_33 iter_args(%scan3A_49 = %broadcast_in_dim3A_23) -> (vector<16xf32>)  : i32 {
      %mul3A_50 = arith.constant 128 : i32
      %mul3A_51 = arith.muli %scan3A_48, %mul3A_50 : i32
      %add3A_52 = arith.addi %mul3A_20, %mul3A_51 : i32
      "tpu.region"() ({
        %run_scoped3A = tpu.sem_alloc : memref<!tpu.dma_semaphore, #tpu.memory_space<semaphore_mem>>
        %dma_start3A_73 = tpu.memref_slice %arg3[%add3A_52] : memref<262144xi32, #tpu.memory_space<hbm>> -> memref<128xi32, #tpu.memory_space<hbm>>
        %dma_start3A_74 = tpu.memref_slice %arg3[%add3A_52] : memref<262144xi32, #tpu.memory_space<hbm>> -> memref<128xi32, #tpu.memory_space<hbm>>
        tpu.enqueue_dma source(%dma_start3A_74 : memref<128xi32, #tpu.memory_space<hbm>>) target(%arg9 : memref<128xi32, #tpu.memory_space<vmem>>) target_semaphore(%run_scoped3A : memref<!tpu.dma_semaphore, #tpu.memory_space<semaphore_mem>>)
        %dma_wait3A_75 = tpu.memref_slice %arg3[%add3A_52] : memref<262144xi32, #tpu.memory_space<hbm>> -> memref<128xi32, #tpu.memory_space<hbm>>
        %dma_wait3A_76 = tpu.memref_slice %arg3[%add3A_52] : memref<262144xi32, #tpu.memory_space<hbm>> -> memref<128xi32, #tpu.memory_space<hbm>>
        tpu.wait_dma2 semaphore(%run_scoped3A : memref<!tpu.dma_semaphore, #tpu.memory_space<semaphore_mem>>) src(%dma_wait3A_76 : memref<128xi32, #tpu.memory_space<hbm>>) dst(%arg9 : memref<128xi32, #tpu.memory_space<vmem>>)
        tpu.yield
      }) : () -> ()
      %scan3A_53 = arith.constant 0 : i32
      %scan3A_54 = arith.constant 0 : i32
      %scan3A_55 = arith.constant 8 : i32
      %scan3A_56 = arith.addi %scan3A_54, %scan3A_55 : i32
      %scan3A_57 = arith.constant 1 : i32
      %scan3A_58 = scf.for %scan3A_73 = %scan3A_54 to %scan3A_56 step %scan3A_57 iter_args(%scan3A_74 = %scan3A_53) -> (i32)  : i32 {
        %mul3A_75 = arith.constant 16 : i32
        %mul3A_76 = arith.muli %scan3A_73, %mul3A_75 : i32
        %get3A = arith.index_cast %mul3A_76 : i32 to index
        %get3A_77 = tpu.vector_load %arg9[%get3A] {strides = array<i32>} : memref<128xi32, #tpu.memory_space<vmem>>, vector<16xi32>,
        %get3A_78 = vector.shape_cast %get3A_77 : vector<16xi32> to vector<16xi32>
        %add3A_79 = vector.broadcast %mul3A_18 : i32 to vector<16xi32>
        %add3A_80 = arith.addi %get3A_78, %add3A_79 : vector<16xi32>
        %mul3A_81 = arith.constant 16 : i32
        %mul3A_82 = arith.muli %scan3A_73, %mul3A_81 : i32
        %swap3A_83 = arith.index_cast %mul3A_82 : i32 to index
        %swap3A_84 = tpu.vector_load %arg9[%swap3A_83] {strides = array<i32>} : memref<128xi32, #tpu.memory_space<vmem>>, vector<16xi32>,
        %swap3A_85 = vector.shape_cast %swap3A_84 : vector<16xi32> to vector<16xi32>
        %swap3A_86 = vector.shape_cast %add3A_80 : vector<16xi32> to vector<16xi32>
        tpu.vector_store %arg9[%swap3A_83], %swap3A_86 {strides = array<i32>} : memref<128xi32, #tpu.memory_space<vmem>>, vector<16xi32>,
        %scan3A_87 = arith.constant 0 : i32
        scf.yield %scan3A_87 : i32
      }
      %scan3A_59 = arith.constant 8 : i32
      %dma_start3A = arith.constant 0 : i32
      %dma_start3A_60 = arith.constant 0 : i32
      %dma_start3A_61 = tpu.memref_slice %arg2[%dma_start3A, %dma_start3A_60] : memref<32768x128xf32, #tpu.memory_space<hbm>> -> memref<32768x128xf32, #tpu.memory_space<hbm>>
      tpu.enqueue_indirect_dma source(%dma_start3A_61 : memref<32768x128xf32, #tpu.memory_space<hbm>>) target(%arg10 : memref<128x128xf32, #tpu.memory_space<vmem>>) offsets(%arg9 : memref<128xi32, #tpu.memory_space<vmem>>) semaphore(%arg13 : memref<!tpu.dma_semaphore, #tpu.memory_space<semaphore_mem>>)
      %dma_wait3A = arith.constant 0 : i32
      %dma_wait3A_62 = arith.constant 0 : i32
      %dma_wait3A_63 = tpu.memref_slice %arg2[%dma_wait3A, %dma_wait3A_62] : memref<32768x128xf32, #tpu.memory_space<hbm>> -> memref<32768x128xf32, #tpu.memory_space<hbm>>
      tpu.wait_indirect_dma semaphore(%arg13 : memref<!tpu.dma_semaphore, #tpu.memory_space<semaphore_mem>>) src(%dma_wait3A_63 : memref<32768x128xf32, #tpu.memory_space<hbm>>) dst(%arg10 : memref<128x128xf32, #tpu.memory_space<vmem>>)
      %mul3A_64 = arith.constant 128 : i32
      %mul3A_65 = arith.muli %scan3A_48, %mul3A_64 : i32
      %add3A_66 = arith.addi %mul3A_20, %mul3A_65 : i32
      "tpu.region"() ({
        %run_scoped3A = tpu.sem_alloc : memref<!tpu.dma_semaphore, #tpu.memory_space<semaphore_mem>>
        %dma_start3A_73 = arith.constant 0 : i32
        %dma_start3A_74 = tpu.memref_slice %arg5[%add3A_66, %dma_start3A_73] : memref<262144x128xf32, #tpu.memory_space<hbm>> -> memref<128x128xf32, #tpu.memory_space<hbm>>
        %dma_start3A_75 = arith.constant 0 : i32
        %dma_start3A_76 = tpu.memref_slice %arg5[%add3A_66, %dma_start3A_75] : memref<262144x128xf32, #tpu.memory_space<hbm>> -> memref<128x128xf32, #tpu.memory_space<hbm>>
        tpu.enqueue_dma source(%arg10 : memref<128x128xf32, #tpu.memory_space<vmem>>) target(%dma_start3A_76 : memref<128x128xf32, #tpu.memory_space<hbm>>) target_semaphore(%run_scoped3A : memref<!tpu.dma_semaphore, #tpu.memory_space<semaphore_mem>>)
        %dma_wait3A_77 = arith.constant 0 : i32
        %dma_wait3A_78 = tpu.memref_slice %arg5[%add3A_66, %dma_wait3A_77] : memref<262144x128xf32, #tpu.memory_space<hbm>> -> memref<128x128xf32, #tpu.memory_space<hbm>>
        %dma_wait3A_79 = arith.constant 0 : i32
        %dma_wait3A_80 = tpu.memref_slice %arg5[%add3A_66, %dma_wait3A_79] : memref<262144x128xf32, #tpu.memory_space<hbm>> -> memref<128x128xf32, #tpu.memory_space<hbm>>
        tpu.wait_dma2 semaphore(%run_scoped3A : memref<!tpu.dma_semaphore, #tpu.memory_space<semaphore_mem>>) src(%arg10 : memref<128x128xf32, #tpu.memory_space<vmem>>) dst(%dma_wait3A_80 : memref<128x128xf32, #tpu.memory_space<hbm>>)
        tpu.yield
      }) : () -> ()
      %scan3A_67 = arith.constant 0 : i32
      %scan3A_68 = arith.constant 128 : i32
      %scan3A_69 = arith.addi %scan3A_67, %scan3A_68 : i32
      %scan3A_70 = arith.constant 1 : i32
      %scan3A_71 = scf.for %scan3A_73 = %scan3A_67 to %scan3A_69 step %scan3A_70 iter_args(%scan3A_74 = %scan3A_49) -> (vector<16xf32>)  : i32 {
        %mul3A_75 = arith.constant 4 : i32
        %mul3A_76 = arith.muli %scan3A_48, %mul3A_75 : i32
        %jit3A_77 = arith.constant 32 : i32
        %div3A_78 = arith.divsi %scan3A_73, %jit3A_77 : i32
        %sign3A_79 = arith.constant 0 : i32
        %sign3A_80 = arith.cmpi sgt, %scan3A_73, %sign3A_79 : i32
        %sign3A_81 = arith.extui %sign3A_80 : i1 to i32
        %sign3A_82 = arith.constant 0 : i32
        %sign3A_83 = arith.cmpi slt, %scan3A_73, %sign3A_82 : i32
        %sign3A_84 = arith.extui %sign3A_83 : i1 to i32
        %sign3A_85 = arith.subi %sign3A_81, %sign3A_84 : i32
        %sign3A_86 = arith.constant 0 : i32
        %sign3A_87 = arith.cmpi sgt, %jit3A_77, %sign3A_86 : i32
        %sign3A_88 = arith.extui %sign3A_87 : i1 to i32
        %sign3A_89 = arith.constant 0 : i32
        %sign3A_90 = arith.cmpi slt, %jit3A_77, %sign3A_89 : i32
        %sign3A_91 = arith.extui %sign3A_90 : i1 to i32
        %sign3A_92 = arith.subi %sign3A_88, %sign3A_91 : i32
        %ne3A_93 = arith.cmpi ne, %sign3A_85, %sign3A_92 : i32
        %rem3A_94 = arith.remsi %scan3A_73, %jit3A_77 : i32
        %ne3A_95 = arith.constant 0 : i32
        %ne3A_96 = arith.cmpi ne, %rem3A_94, %ne3A_95 : i32
        %and3A_97 = arith.andi %ne3A_93, %ne3A_96 : i1
        %sub3A_98 = arith.constant 1 : i32
        %sub3A_99 = arith.subi %div3A_78, %sub3A_98 : i32
        %select_n3A_100 = arith.select %and3A_97, %sub3A_99, %div3A_78 : i32
        %add3A_101 = arith.addi %mul3A_76, %select_n3A_100 : i32
        %scan3A_102 = arith.constant 0 : i32
        %scan3A_103 = arith.constant 8 : i32
        %scan3A_104 = arith.addi %scan3A_102, %scan3A_103 : i32
        %scan3A_105 = arith.constant 1 : i32
        %scan3A_106 = scf.for %scan3A_108 = %scan3A_102 to %scan3A_104 step %scan3A_105 iter_args(%scan3A_109 = %scan3A_74) -> (vector<16xf32>)  : i32 {
          %mul3A_110 = arith.constant 16 : i32
          %mul3A_111 = arith.muli %scan3A_108, %mul3A_110 : i32
          %get3A = arith.index_cast %scan3A_73 : i32 to index
          %get3A_112 = arith.index_cast %mul3A_111 : i32 to index
          %get3A_113 = tpu.vector_load %arg10[%get3A, %get3A_112] {strides = array<i32>} : memref<128x128xf32, #tpu.memory_space<vmem>>, vector<1x16xf32>,
          %get3A_114 = vector.shape_cast %get3A_113 : vector<1x16xf32> to vector<16xf32>
          %mul3A_115 = arith.constant 128 : i32
          %mul3A_116 = arith.muli %add3A_101, %mul3A_115 : i32
          %mul3A_117 = arith.constant 16 : i32
          %mul3A_118 = arith.muli %scan3A_108, %mul3A_117 : i32
          %add3A_119 = arith.addi %mul3A_116, %mul3A_118 : i32
          %get3A_120 = arith.index_cast %add3A_119 : i32 to index
          %get3A_121 = tpu.vector_load %arg11[%get3A_120] {strides = array<i32>} : memref<32768xf32, #tpu.memory_space<vmem>>, vector<16xf32>,
          %get3A_122 = vector.shape_cast %get3A_121 : vector<16xf32> to vector<16xf32>
          %add3A_123 = arith.addf %get3A_122, %get3A_114 : vector<16xf32>
          %mul3A_124 = arith.constant 128 : i32
          %mul3A_125 = arith.muli %add3A_101, %mul3A_124 : i32
          %mul3A_126 = arith.constant 16 : i32
          %mul3A_127 = arith.muli %scan3A_108, %mul3A_126 : i32
          %add3A_128 = arith.addi %mul3A_125, %mul3A_127 : i32
          %swap3A_129 = arith.index_cast %add3A_128 : i32 to index
          %swap3A_130 = tpu.vector_load %arg11[%swap3A_129] {strides = array<i32>} : memref<32768xf32, #tpu.memory_space<vmem>>, vector<16xf32>,
          %swap3A_131 = vector.shape_cast %swap3A_130 : vector<16xf32> to vector<16xf32>
          %swap3A_132 = vector.shape_cast %add3A_123 : vector<16xf32> to vector<16xf32>
          tpu.vector_store %arg11[%swap3A_129], %swap3A_132 {strides = array<i32>} : memref<32768xf32, #tpu.memory_space<vmem>>, vector<16xf32>,
          %mul3A_133 = arith.mulf %get3A_114, %get3A_114 : vector<16xf32>
          %add3A_134 = arith.addf %scan3A_109, %mul3A_133 : vector<16xf32>
          scf.yield %add3A_134 : vector<16xf32>
        }
        %scan3A_107 = arith.constant 8 : i32
        scf.yield %scan3A_106 : vector<16xf32>
      }
      %scan3A_72 = arith.constant 128 : i32
      scf.yield %scan3A_71 : vector<16xf32>
    }
    %scan3A_35 = arith.constant 64 : i32
    %swap3A = arith.constant 0 : index
    %swap3A_36 = tpu.vector_load %arg12[%swap3A] {strides = array<i32>} : memref<16xf32, #tpu.memory_space<vmem>>, vector<16xf32>,
    %swap3A_37 = vector.shape_cast %swap3A_36 : vector<16xf32> to vector<16xf32>
    %swap3A_38 = vector.shape_cast %scan3A_34 : vector<16xf32> to vector<16xf32>
    tpu.vector_store %arg12[%swap3A], %swap3A_38 {strides = array<i32>} : memref<16xf32, #tpu.memory_space<vmem>>, vector<16xf32>,
    "tpu.region"() ({
      %run_scoped3A = tpu.sem_alloc : memref<!tpu.dma_semaphore, #tpu.memory_space<semaphore_mem>>
      %dma_start3A = arith.constant 0 : i32
      %dma_start3A_48 = tpu.memref_slice %arg8[%add3A, %dma_start3A] : memref<32x16xf32, #tpu.memory_space<hbm>> -> memref<1x16xf32, #tpu.memory_space<hbm>>
      %dma_start3A_49 = tpu.memref_squeeze %dma_start3A_48 : memref<1x16xf32, #tpu.memory_space<hbm>> -> memref<16xf32, #tpu.memory_space<hbm>>
      %dma_start3A_50 = arith.constant 0 : i32
      %dma_start3A_51 = tpu.memref_slice %arg8[%add3A, %dma_start3A_50] : memref<32x16xf32, #tpu.memory_space<hbm>> -> memref<1x16xf32, #tpu.memory_space<hbm>>
      %dma_start3A_52 = tpu.memref_squeeze %dma_start3A_51 : memref<1x16xf32, #tpu.memory_space<hbm>> -> memref<16xf32, #tpu.memory_space<hbm>>
      tpu.enqueue_dma source(%arg12 : memref<16xf32, #tpu.memory_space<vmem>>) target(%dma_start3A_52 : memref<16xf32, #tpu.memory_space<hbm>>) target_semaphore(%run_scoped3A : memref<!tpu.dma_semaphore, #tpu.memory_space<semaphore_mem>>)
      %dma_wait3A = arith.constant 0 : i32
      %dma_wait3A_53 = tpu.memref_slice %arg8[%add3A, %dma_wait3A] : memref<32x16xf32, #tpu.memory_space<hbm>> -> memref<1x16xf32, #tpu.memory_space<hbm>>
      %dma_wait3A_54 = tpu.memref_squeeze %dma_wait3A_53 : memref<1x16xf32, #tpu.memory_space<hbm>> -> memref<16xf32, #tpu.memory_space<hbm>>
      %dma_wait3A_55 = arith.constant 0 : i32
      %dma_wait3A_56 = tpu.memref_slice %arg8[%add3A, %dma_wait3A_55] : memref<32x16xf32, #tpu.memory_space<hbm>> -> memref<1x16xf32, #tpu.memory_space<hbm>>
      %dma_wait3A_57 = tpu.memref_squeeze %dma_wait3A_56 : memref<1x16xf32, #tpu.memory_space<hbm>> -> memref<16xf32, #tpu.memory_space<hbm>>
      tpu.wait_dma2 semaphore(%run_scoped3A : memref<!tpu.dma_semaphore, #tpu.memory_space<semaphore_mem>>) src(%arg12 : memref<16xf32, #tpu.memory_space<vmem>>) dst(%dma_wait3A_57 : memref<16xf32, #tpu.memory_space<hbm>>)
      tpu.yield
    }) : () -> ()
    %mul3A_39 = arith.constant 128 : i32
    %mul3A_40 = arith.muli %mul3A_22, %mul3A_39 : i32
    "tpu.region"() ({
      %run_scoped3A = tpu.sem_alloc : memref<!tpu.dma_semaphore, #tpu.memory_space<semaphore_mem>>
      %dma_start3A = tpu.memref_slice %arg6[%mul3A_40] : memref<1048576xf32, #tpu.memory_space<hbm>> -> memref<32768xf32, #tpu.memory_space<hbm>>
      %dma_start3A_48 = tpu.memref_slice %arg6[%mul3A_40] : memref<1048576xf32, #tpu.memory_space<hbm>> -> memref<32768xf32, #tpu.memory_space<hbm>>
      tpu.enqueue_dma source(%arg11 : memref<32768xf32, #tpu.memory_space<vmem>>) target(%dma_start3A_48 : memref<32768xf32, #tpu.memory_space<hbm>>) target_semaphore(%run_scoped3A : memref<!tpu.dma_semaphore, #tpu.memory_space<semaphore_mem>>)
      %dma_wait3A = tpu.memref_slice %arg6[%mul3A_40] : memref<1048576xf32, #tpu.memory_space<hbm>> -> memref<32768xf32, #tpu.memory_space<hbm>>
      %dma_wait3A_49 = tpu.memref_slice %arg6[%mul3A_40] : memref<1048576xf32, #tpu.memory_space<hbm>> -> memref<32768xf32, #tpu.memory_space<hbm>>
      tpu.wait_dma2 semaphore(%run_scoped3A : memref<!tpu.dma_semaphore, #tpu.memory_space<semaphore_mem>>) src(%arg11 : memref<32768xf32, #tpu.memory_space<vmem>>) dst(%dma_wait3A_49 : memref<32768xf32, #tpu.memory_space<hbm>>)
      tpu.yield
    }) : () -> ()
    %scan3A_41 = arith.constant 0 : i32
    %scan3A_42 = arith.constant 0 : i32
    %scan3A_43 = arith.constant 2 : i32
    %scan3A_44 = arith.addi %scan3A_42, %scan3A_43 : i32
    %scan3A_45 = arith.constant 1 : i32
    %scan3A_46 = scf.for %scan3A_48 = %scan3A_42 to %scan3A_44 step %scan3A_45 iter_args(%scan3A_49 = %scan3A_41) -> (i32)  : i32 {
      %mul3A_50 = arith.constant 128 : i32
      %mul3A_51 = arith.muli %scan3A_48, %mul3A_50 : i32
      %add3A_52 = arith.addi %mul3A_22, %mul3A_51 : i32
      "tpu.region"() ({
        %run_scoped3A = tpu.sem_alloc : memref<!tpu.dma_semaphore, #tpu.memory_space<semaphore_mem>>
        %dma_start3A_68 = tpu.memref_slice %arg4[%add3A_52] : memref<8192xi32, #tpu.memory_space<hbm>> -> memref<128xi32, #tpu.memory_space<hbm>>
        %dma_start3A_69 = tpu.memref_slice %arg4[%add3A_52] : memref<8192xi32, #tpu.memory_space<hbm>> -> memref<128xi32, #tpu.memory_space<hbm>>
        tpu.enqueue_dma source(%dma_start3A_69 : memref<128xi32, #tpu.memory_space<hbm>>) target(%arg9 : memref<128xi32, #tpu.memory_space<vmem>>) target_semaphore(%run_scoped3A : memref<!tpu.dma_semaphore, #tpu.memory_space<semaphore_mem>>)
        %dma_wait3A_70 = tpu.memref_slice %arg4[%add3A_52] : memref<8192xi32, #tpu.memory_space<hbm>> -> memref<128xi32, #tpu.memory_space<hbm>>
        %dma_wait3A_71 = tpu.memref_slice %arg4[%add3A_52] : memref<8192xi32, #tpu.memory_space<hbm>> -> memref<128xi32, #tpu.memory_space<hbm>>
        tpu.wait_dma2 semaphore(%run_scoped3A : memref<!tpu.dma_semaphore, #tpu.memory_space<semaphore_mem>>) src(%dma_wait3A_71 : memref<128xi32, #tpu.memory_space<hbm>>) dst(%arg9 : memref<128xi32, #tpu.memory_space<vmem>>)
        tpu.yield
      }) : () -> ()
      %scan3A_53 = arith.constant 0 : i32
      %scan3A_54 = arith.constant 0 : i32
      %scan3A_55 = arith.constant 8 : i32
      %scan3A_56 = arith.addi %scan3A_54, %scan3A_55 : i32
      %scan3A_57 = arith.constant 1 : i32
      %scan3A_58 = scf.for %scan3A_68 = %scan3A_54 to %scan3A_56 step %scan3A_57 iter_args(%scan3A_69 = %scan3A_53) -> (i32)  : i32 {
        %mul3A_70 = arith.constant 16 : i32
        %mul3A_71 = arith.muli %scan3A_68, %mul3A_70 : i32
        %get3A = arith.index_cast %mul3A_71 : i32 to index
        %get3A_72 = tpu.vector_load %arg9[%get3A] {strides = array<i32>} : memref<128xi32, #tpu.memory_space<vmem>>, vector<16xi32>,
        %get3A_73 = vector.shape_cast %get3A_72 : vector<16xi32> to vector<16xi32>
        %add3A_74 = vector.broadcast %mul3A_18 : i32 to vector<16xi32>
        %add3A_75 = arith.addi %get3A_73, %add3A_74 : vector<16xi32>
        %mul3A_76 = arith.constant 16 : i32
        %mul3A_77 = arith.muli %scan3A_68, %mul3A_76 : i32
        %swap3A_78 = arith.index_cast %mul3A_77 : i32 to index
        %swap3A_79 = tpu.vector_load %arg9[%swap3A_78] {strides = array<i32>} : memref<128xi32, #tpu.memory_space<vmem>>, vector<16xi32>,
        %swap3A_80 = vector.shape_cast %swap3A_79 : vector<16xi32> to vector<16xi32>
        %swap3A_81 = vector.shape_cast %add3A_75 : vector<16xi32> to vector<16xi32>
        tpu.vector_store %arg9[%swap3A_78], %swap3A_81 {strides = array<i32>} : memref<128xi32, #tpu.memory_space<vmem>>, vector<16xi32>,
        %scan3A_82 = arith.constant 0 : i32
        scf.yield %scan3A_82 : i32
      }
      %scan3A_59 = arith.constant 8 : i32
      %dma_start3A = arith.constant 0 : i32
      %dma_start3A_60 = arith.constant 0 : i32
      %dma_start3A_61 = tpu.memref_slice %arg2[%dma_start3A, %dma_start3A_60] : memref<32768x128xf32, #tpu.memory_space<hbm>> -> memref<32768x128xf32, #tpu.memory_space<hbm>>
      tpu.enqueue_indirect_dma source(%dma_start3A_61 : memref<32768x128xf32, #tpu.memory_space<hbm>>) target(%arg10 : memref<128x128xf32, #tpu.memory_space<vmem>>) offsets(%arg9 : memref<128xi32, #tpu.memory_space<vmem>>) semaphore(%arg13 : memref<!tpu.dma_semaphore, #tpu.memory_space<semaphore_mem>>)
      %dma_wait3A = arith.constant 0 : i32
      %dma_wait3A_62 = arith.constant 0 : i32
      %dma_wait3A_63 = tpu.memref_slice %arg2[%dma_wait3A, %dma_wait3A_62] : memref<32768x128xf32, #tpu.memory_space<hbm>> -> memref<32768x128xf32, #tpu.memory_space<hbm>>
      tpu.wait_indirect_dma semaphore(%arg13 : memref<!tpu.dma_semaphore, #tpu.memory_space<semaphore_mem>>) src(%dma_wait3A_63 : memref<32768x128xf32, #tpu.memory_space<hbm>>) dst(%arg10 : memref<128x128xf32, #tpu.memory_space<vmem>>)
      %mul3A_64 = arith.constant 128 : i32
      %mul3A_65 = arith.muli %scan3A_48, %mul3A_64 : i32
      %add3A_66 = arith.addi %mul3A_22, %mul3A_65 : i32
      "tpu.region"() ({
        %run_scoped3A = tpu.sem_alloc : memref<!tpu.dma_semaphore, #tpu.memory_space<semaphore_mem>>
        %dma_start3A_68 = arith.constant 0 : i32
        %dma_start3A_69 = tpu.memref_slice %arg7[%add3A_66, %dma_start3A_68] : memref<8192x128xf32, #tpu.memory_space<hbm>> -> memref<128x128xf32, #tpu.memory_space<hbm>>
        %dma_start3A_70 = arith.constant 0 : i32
        %dma_start3A_71 = tpu.memref_slice %arg7[%add3A_66, %dma_start3A_70] : memref<8192x128xf32, #tpu.memory_space<hbm>> -> memref<128x128xf32, #tpu.memory_space<hbm>>
        tpu.enqueue_dma source(%arg10 : memref<128x128xf32, #tpu.memory_space<vmem>>) target(%dma_start3A_71 : memref<128x128xf32, #tpu.memory_space<hbm>>) target_semaphore(%run_scoped3A : memref<!tpu.dma_semaphore, #tpu.memory_space<semaphore_mem>>)
        %dma_wait3A_72 = arith.constant 0 : i32
        %dma_wait3A_73 = tpu.memref_slice %arg7[%add3A_66, %dma_wait3A_72] : memref<8192x128xf32, #tpu.memory_space<hbm>> -> memref<128x128xf32, #tpu.memory_space<hbm>>
        %dma_wait3A_74 = arith.constant 0 : i32
        %dma_wait3A_75 = tpu.memref_slice %arg7[%add3A_66, %dma_wait3A_74] : memref<8192x128xf32, #tpu.memory_space<hbm>> -> memref<128x128xf32, #tpu.memory_space<hbm>>
        tpu.wait_dma2 semaphore(%run_scoped3A : memref<!tpu.dma_semaphore, #tpu.memory_space<semaphore_mem>>) src(%arg10 : memref<128x128xf32, #tpu.memory_space<vmem>>) dst(%dma_wait3A_75 : memref<128x128xf32, #tpu.memory_space<hbm>>)
        tpu.yield
      }) : () -> ()
      %scan3A_67 = arith.constant 0 : i32
      scf.yield %scan3A_67 : i32
    }
    %scan3A_47 = arith.constant 2 : i32
    return
  }
}

module attributes {stable_mosaic.version = 14 : i64} {
  func.func @_fps_body(%arg0: memref<3x8x4096xf32, #tpu.memory_space<vmem>>, %arg1: memref<8x1024xi32, #tpu.memory_space<vmem>>, %arg2: memref<3x8x1024xf32, #tpu.memory_space<vmem>>) attributes {dimension_semantics = [], scalar_prefetch = 0 : i64, scratch_operands = 0 : i64, tpu.core_type = #tpu.core_type<tc>} {
    %get3A = arith.constant 0 : index
    %get3A_0 = arith.constant 0 : index
    %get3A_1 = arith.constant 0 : index
    %get3A_2 = vector.load %arg0[%get3A, %get3A_0, %get3A_1] : memref<3x8x4096xf32, #tpu.memory_space<vmem>>, vector<1x8x4096xf32>
    %get3A_3 = vector.shape_cast %get3A_2 : vector<1x8x4096xf32> to vector<8x4096xf32>
    %get3A_4 = arith.constant 1 : index
    %get3A_5 = arith.constant 0 : index
    %get3A_6 = arith.constant 0 : index
    %get3A_7 = vector.load %arg0[%get3A_4, %get3A_5, %get3A_6] : memref<3x8x4096xf32, #tpu.memory_space<vmem>>, vector<1x8x4096xf32>
    %get3A_8 = vector.shape_cast %get3A_7 : vector<1x8x4096xf32> to vector<8x4096xf32>
    %get3A_9 = arith.constant 2 : index
    %get3A_10 = arith.constant 0 : index
    %get3A_11 = arith.constant 0 : index
    %get3A_12 = vector.load %arg0[%get3A_9, %get3A_10, %get3A_11] : memref<3x8x4096xf32, #tpu.memory_space<vmem>>, vector<1x8x4096xf32>
    %get3A_13 = vector.shape_cast %get3A_12 : vector<1x8x4096xf32> to vector<8x4096xf32>
    %iota3A = tpu.iota {dimensions = array<i32: 1>} : vector<8x4096xi32>
    %iota3A_14 = tpu.iota {dimensions = array<i32: 1>} : vector<8x128xi32>
    %broadcast_in_dim3A = arith.constant 1.000000e+10 : f32
    %broadcast_in_dim3A_15 = vector.broadcast %broadcast_in_dim3A : f32 to vector<8x4096xf32>
    %broadcast_in_dim3A_16 = arith.constant 0 : i32
    %broadcast_in_dim3A_17 = vector.broadcast %broadcast_in_dim3A_16 : i32 to vector<8x1xi32>
    %iota3A_18 = tpu.iota {dimensions = array<i32: 0>} : vector<8x128xi32>
    %iota3A_19 = tpu.iota {dimensions = array<i32: 1>} : vector<8x128xi32>
    %mul3A = arith.muli %iota3A_18, %iota3A_19 : vector<8x128xi32>
    %convert_element_type3A = arith.sitofp %mul3A : vector<8x128xi32> to vector<8x128xf32>
    %scan3A = arith.constant 0 : i32
    %scan3A_20 = arith.constant 128 : i32
    %scan3A_21 = arith.addi %scan3A, %scan3A_20 : i32
    %scan3A_22 = arith.constant 1 : i32
    %scan3A_23:6 = scf.for %scan3A_234 = %scan3A to %scan3A_21 step %scan3A_22 iter_args(%scan3A_235 = %broadcast_in_dim3A_15, %scan3A_236 = %broadcast_in_dim3A_17, %scan3A_237 = %mul3A, %scan3A_238 = %convert_element_type3A, %scan3A_239 = %convert_element_type3A, %scan3A_240 = %convert_element_type3A) -> (vector<8x4096xf32>, vector<8x1xi32>, vector<8x128xi32>, vector<8x128xf32>, vector<8x128xf32>, vector<8x128xf32>)  : i32 {
      %eq3A = vector.broadcast %scan3A_234 : i32 to vector<8x128xi32>
      %eq3A_241 = arith.cmpi eq, %iota3A_14, %eq3A : vector<8x128xi32>
      %broadcast_in_dim3A_242 = vector.shape_cast %scan3A_236 : vector<8x1xi32> to vector<8x1xi32>
      %broadcast_in_dim3A_243 = vector.broadcast %broadcast_in_dim3A_242 : vector<8x1xi32> to vector<8x128xi32>
      %select_n3A = arith.select %eq3A_241, %broadcast_in_dim3A_243, %scan3A_237 : vector<8x128xi1>, vector<8x128xi32>
      %eq3A_244 = vector.broadcast %scan3A_236 : vector<8x1xi32> to vector<8x4096xi32>
      %eq3A_245 = arith.cmpi eq, %iota3A, %eq3A_244 : vector<8x4096xi32>
      %jit3A = arith.constant 0.000000e+00 : f32
      %broadcast_in_dim3A_246 = vector.broadcast %jit3A : f32 to vector<8x4096xf32>
      %select_n3A_247 = arith.select %eq3A_245, %get3A_3, %broadcast_in_dim3A_246 : vector<8x4096xi1>, vector<8x4096xf32>
      %reduce_sum3A = arith.constant dense<0.000000e+00> : vector<8xf32>
      %reduce_sum3A_248 = vector.multi_reduction <add>, %select_n3A_247, %reduce_sum3A [1] : vector<8x4096xf32> to vector<8xf32>
      %broadcast_in_dim3A_249 = vector.shape_cast %reduce_sum3A_248 : vector<8xf32> to vector<8x1xf32>
      %jit3A_250 = arith.constant 0.000000e+00 : f32
      %broadcast_in_dim3A_251 = vector.broadcast %jit3A_250 : f32 to vector<8x4096xf32>
      %select_n3A_252 = arith.select %eq3A_245, %get3A_8, %broadcast_in_dim3A_251 : vector<8x4096xi1>, vector<8x4096xf32>
      %reduce_sum3A_253 = arith.constant dense<0.000000e+00> : vector<8xf32>
      %reduce_sum3A_254 = vector.multi_reduction <add>, %select_n3A_252, %reduce_sum3A_253 [1] : vector<8x4096xf32> to vector<8xf32>
      %broadcast_in_dim3A_255 = vector.shape_cast %reduce_sum3A_254 : vector<8xf32> to vector<8x1xf32>
      %jit3A_256 = arith.constant 0.000000e+00 : f32
      %broadcast_in_dim3A_257 = vector.broadcast %jit3A_256 : f32 to vector<8x4096xf32>
      %select_n3A_258 = arith.select %eq3A_245, %get3A_13, %broadcast_in_dim3A_257 : vector<8x4096xi1>, vector<8x4096xf32>
      %reduce_sum3A_259 = arith.constant dense<0.000000e+00> : vector<8xf32>
      %reduce_sum3A_260 = vector.multi_reduction <add>, %select_n3A_258, %reduce_sum3A_259 [1] : vector<8x4096xf32> to vector<8xf32>
      %broadcast_in_dim3A_261 = vector.shape_cast %reduce_sum3A_260 : vector<8xf32> to vector<8x1xf32>
      %broadcast_in_dim3A_262 = vector.shape_cast %broadcast_in_dim3A_249 : vector<8x1xf32> to vector<8x1xf32>
      %broadcast_in_dim3A_263 = vector.broadcast %broadcast_in_dim3A_262 : vector<8x1xf32> to vector<8x128xf32>
      %select_n3A_264 = arith.select %eq3A_241, %broadcast_in_dim3A_263, %scan3A_238 : vector<8x128xi1>, vector<8x128xf32>
      %broadcast_in_dim3A_265 = vector.shape_cast %broadcast_in_dim3A_255 : vector<8x1xf32> to vector<8x1xf32>
      %broadcast_in_dim3A_266 = vector.broadcast %broadcast_in_dim3A_265 : vector<8x1xf32> to vector<8x128xf32>
      %select_n3A_267 = arith.select %eq3A_241, %broadcast_in_dim3A_266, %scan3A_239 : vector<8x128xi1>, vector<8x128xf32>
      %broadcast_in_dim3A_268 = vector.shape_cast %broadcast_in_dim3A_261 : vector<8x1xf32> to vector<8x1xf32>
      %broadcast_in_dim3A_269 = vector.broadcast %broadcast_in_dim3A_268 : vector<8x1xf32> to vector<8x128xf32>
      %select_n3A_270 = arith.select %eq3A_241, %broadcast_in_dim3A_269, %scan3A_240 : vector<8x128xi1>, vector<8x128xf32>
      %sub3A = vector.broadcast %broadcast_in_dim3A_249 : vector<8x1xf32> to vector<8x4096xf32>
      %sub3A_271 = arith.subf %get3A_3, %sub3A : vector<8x4096xf32>
      %sub3A_272 = vector.broadcast %broadcast_in_dim3A_255 : vector<8x1xf32> to vector<8x4096xf32>
      %sub3A_273 = arith.subf %get3A_8, %sub3A_272 : vector<8x4096xf32>
      %sub3A_274 = vector.broadcast %broadcast_in_dim3A_261 : vector<8x1xf32> to vector<8x4096xf32>
      %sub3A_275 = arith.subf %get3A_13, %sub3A_274 : vector<8x4096xf32>
      %mul3A_276 = arith.mulf %sub3A_271, %sub3A_271 : vector<8x4096xf32>
      %mul3A_277 = arith.mulf %sub3A_273, %sub3A_273 : vector<8x4096xf32>
      %add3A = arith.addf %mul3A_276, %mul3A_277 : vector<8x4096xf32>
      %mul3A_278 = arith.mulf %sub3A_275, %sub3A_275 : vector<8x4096xf32>
      %add3A_279 = arith.addf %add3A, %mul3A_278 : vector<8x4096xf32>
      %min3A = arith.minimumf %scan3A_235, %add3A_279 : vector<8x4096xf32>
      %reduce_max3A = arith.constant dense<0xFF800000> : vector<8xf32>
      %reduce_max3A_280 = vector.multi_reduction <maximumf>, %min3A, %reduce_max3A [1] : vector<8x4096xf32> to vector<8xf32>
      %broadcast_in_dim3A_281 = vector.shape_cast %reduce_max3A_280 : vector<8xf32> to vector<8x1xf32>
      %eq3A_282 = vector.broadcast %broadcast_in_dim3A_281 : vector<8x1xf32> to vector<8x4096xf32>
      %eq3A_283 = arith.cmpf oeq, %min3A, %eq3A_282 : vector<8x4096xf32>
      %jit3A_284 = arith.constant 4096 : i32
      %broadcast_in_dim3A_285 = vector.broadcast %jit3A_284 : i32 to vector<8x4096xi32>
      %select_n3A_286 = arith.select %eq3A_283, %iota3A, %broadcast_in_dim3A_285 : vector<8x4096xi1>, vector<8x4096xi32>
      %reduce_min3A = arith.constant dense<2147483647> : vector<8xi32>
      %reduce_min3A_287 = vector.multi_reduction <minsi>, %select_n3A_286, %reduce_min3A [1] : vector<8x4096xi32> to vector<8xi32>
      %broadcast_in_dim3A_288 = vector.shape_cast %reduce_min3A_287 : vector<8xi32> to vector<8x1xi32>
      scf.yield %min3A, %broadcast_in_dim3A_288, %select_n3A, %select_n3A_264, %select_n3A_267, %select_n3A_270 : vector<8x4096xf32>, vector<8x1xi32>, vector<8x128xi32>, vector<8x128xf32>, vector<8x128xf32>, vector<8x128xf32>
    }
    %scan3A_24 = arith.constant 128 : i32
    %swap3A = arith.constant 0 : index
    %swap3A_25 = arith.constant 0 : index
    %swap3A_26 = vector.load %arg1[%swap3A, %swap3A_25] : memref<8x1024xi32, #tpu.memory_space<vmem>>, vector<8x128xi32>
    tpu.vector_store %arg1[%swap3A, %swap3A_25], %scan3A_23#2 {strides = array<i32>} : memref<8x1024xi32, #tpu.memory_space<vmem>>, vector<8x128xi32>,
    %swap3A_27 = arith.constant 0 : index
    %swap3A_28 = arith.constant 0 : index
    %swap3A_29 = arith.constant 0 : index
    %swap3A_30 = vector.load %arg2[%swap3A_27, %swap3A_28, %swap3A_29] : memref<3x8x1024xf32, #tpu.memory_space<vmem>>, vector<1x8x128xf32>
    %swap3A_31 = vector.shape_cast %swap3A_30 : vector<1x8x128xf32> to vector<8x128xf32>
    %swap3A_32 = vector.shape_cast %scan3A_23#3 : vector<8x128xf32> to vector<1x8x128xf32>
    tpu.vector_store %arg2[%swap3A_27, %swap3A_28, %swap3A_29], %swap3A_32 {strides = array<i32>} : memref<3x8x1024xf32, #tpu.memory_space<vmem>>, vector<1x8x128xf32>,
    %swap3A_33 = arith.constant 1 : index
    %swap3A_34 = arith.constant 0 : index
    %swap3A_35 = arith.constant 0 : index
    %swap3A_36 = vector.load %arg2[%swap3A_33, %swap3A_34, %swap3A_35] : memref<3x8x1024xf32, #tpu.memory_space<vmem>>, vector<1x8x128xf32>
    %swap3A_37 = vector.shape_cast %swap3A_36 : vector<1x8x128xf32> to vector<8x128xf32>
    %swap3A_38 = vector.shape_cast %scan3A_23#4 : vector<8x128xf32> to vector<1x8x128xf32>
    tpu.vector_store %arg2[%swap3A_33, %swap3A_34, %swap3A_35], %swap3A_38 {strides = array<i32>} : memref<3x8x1024xf32, #tpu.memory_space<vmem>>, vector<1x8x128xf32>,
    %swap3A_39 = arith.constant 2 : index
    %swap3A_40 = arith.constant 0 : index
    %swap3A_41 = arith.constant 0 : index
    %swap3A_42 = vector.load %arg2[%swap3A_39, %swap3A_40, %swap3A_41] : memref<3x8x1024xf32, #tpu.memory_space<vmem>>, vector<1x8x128xf32>
    %swap3A_43 = vector.shape_cast %swap3A_42 : vector<1x8x128xf32> to vector<8x128xf32>
    %swap3A_44 = vector.shape_cast %scan3A_23#5 : vector<8x128xf32> to vector<1x8x128xf32>
    tpu.vector_store %arg2[%swap3A_39, %swap3A_40, %swap3A_41], %swap3A_44 {strides = array<i32>} : memref<3x8x1024xf32, #tpu.memory_space<vmem>>, vector<1x8x128xf32>,
    %scan3A_45 = arith.constant 0 : i32
    %scan3A_46 = arith.constant 128 : i32
    %scan3A_47 = arith.addi %scan3A_45, %scan3A_46 : i32
    %scan3A_48 = arith.constant 1 : i32
    %scan3A_49:6 = scf.for %scan3A_234 = %scan3A_45 to %scan3A_47 step %scan3A_48 iter_args(%scan3A_235 = %scan3A_23#0, %scan3A_236 = %scan3A_23#1, %scan3A_237 = %scan3A_23#2, %scan3A_238 = %scan3A_23#3, %scan3A_239 = %scan3A_23#4, %scan3A_240 = %scan3A_23#5) -> (vector<8x4096xf32>, vector<8x1xi32>, vector<8x128xi32>, vector<8x128xf32>, vector<8x128xf32>, vector<8x128xf32>)  : i32 {
      %eq3A = vector.broadcast %scan3A_234 : i32 to vector<8x128xi32>
      %eq3A_241 = arith.cmpi eq, %iota3A_14, %eq3A : vector<8x128xi32>
      %broadcast_in_dim3A_242 = vector.shape_cast %scan3A_236 : vector<8x1xi32> to vector<8x1xi32>
      %broadcast_in_dim3A_243 = vector.broadcast %broadcast_in_dim3A_242 : vector<8x1xi32> to vector<8x128xi32>
      %select_n3A = arith.select %eq3A_241, %broadcast_in_dim3A_243, %scan3A_237 : vector<8x128xi1>, vector<8x128xi32>
      %eq3A_244 = vector.broadcast %scan3A_236 : vector<8x1xi32> to vector<8x4096xi32>
      %eq3A_245 = arith.cmpi eq, %iota3A, %eq3A_244 : vector<8x4096xi32>
      %jit3A = arith.constant 0.000000e+00 : f32
      %broadcast_in_dim3A_246 = vector.broadcast %jit3A : f32 to vector<8x4096xf32>
      %select_n3A_247 = arith.select %eq3A_245, %get3A_3, %broadcast_in_dim3A_246 : vector<8x4096xi1>, vector<8x4096xf32>
      %reduce_sum3A = arith.constant dense<0.000000e+00> : vector<8xf32>
      %reduce_sum3A_248 = vector.multi_reduction <add>, %select_n3A_247, %reduce_sum3A [1] : vector<8x4096xf32> to vector<8xf32>
      %broadcast_in_dim3A_249 = vector.shape_cast %reduce_sum3A_248 : vector<8xf32> to vector<8x1xf32>
      %jit3A_250 = arith.constant 0.000000e+00 : f32
      %broadcast_in_dim3A_251 = vector.broadcast %jit3A_250 : f32 to vector<8x4096xf32>
      %select_n3A_252 = arith.select %eq3A_245, %get3A_8, %broadcast_in_dim3A_251 : vector<8x4096xi1>, vector<8x4096xf32>
      %reduce_sum3A_253 = arith.constant dense<0.000000e+00> : vector<8xf32>
      %reduce_sum3A_254 = vector.multi_reduction <add>, %select_n3A_252, %reduce_sum3A_253 [1] : vector<8x4096xf32> to vector<8xf32>
      %broadcast_in_dim3A_255 = vector.shape_cast %reduce_sum3A_254 : vector<8xf32> to vector<8x1xf32>
      %jit3A_256 = arith.constant 0.000000e+00 : f32
      %broadcast_in_dim3A_257 = vector.broadcast %jit3A_256 : f32 to vector<8x4096xf32>
      %select_n3A_258 = arith.select %eq3A_245, %get3A_13, %broadcast_in_dim3A_257 : vector<8x4096xi1>, vector<8x4096xf32>
      %reduce_sum3A_259 = arith.constant dense<0.000000e+00> : vector<8xf32>
      %reduce_sum3A_260 = vector.multi_reduction <add>, %select_n3A_258, %reduce_sum3A_259 [1] : vector<8x4096xf32> to vector<8xf32>
      %broadcast_in_dim3A_261 = vector.shape_cast %reduce_sum3A_260 : vector<8xf32> to vector<8x1xf32>
      %broadcast_in_dim3A_262 = vector.shape_cast %broadcast_in_dim3A_249 : vector<8x1xf32> to vector<8x1xf32>
      %broadcast_in_dim3A_263 = vector.broadcast %broadcast_in_dim3A_262 : vector<8x1xf32> to vector<8x128xf32>
      %select_n3A_264 = arith.select %eq3A_241, %broadcast_in_dim3A_263, %scan3A_238 : vector<8x128xi1>, vector<8x128xf32>
      %broadcast_in_dim3A_265 = vector.shape_cast %broadcast_in_dim3A_255 : vector<8x1xf32> to vector<8x1xf32>
      %broadcast_in_dim3A_266 = vector.broadcast %broadcast_in_dim3A_265 : vector<8x1xf32> to vector<8x128xf32>
      %select_n3A_267 = arith.select %eq3A_241, %broadcast_in_dim3A_266, %scan3A_239 : vector<8x128xi1>, vector<8x128xf32>
      %broadcast_in_dim3A_268 = vector.shape_cast %broadcast_in_dim3A_261 : vector<8x1xf32> to vector<8x1xf32>
      %broadcast_in_dim3A_269 = vector.broadcast %broadcast_in_dim3A_268 : vector<8x1xf32> to vector<8x128xf32>
      %select_n3A_270 = arith.select %eq3A_241, %broadcast_in_dim3A_269, %scan3A_240 : vector<8x128xi1>, vector<8x128xf32>
      %sub3A = vector.broadcast %broadcast_in_dim3A_249 : vector<8x1xf32> to vector<8x4096xf32>
      %sub3A_271 = arith.subf %get3A_3, %sub3A : vector<8x4096xf32>
      %sub3A_272 = vector.broadcast %broadcast_in_dim3A_255 : vector<8x1xf32> to vector<8x4096xf32>
      %sub3A_273 = arith.subf %get3A_8, %sub3A_272 : vector<8x4096xf32>
      %sub3A_274 = vector.broadcast %broadcast_in_dim3A_261 : vector<8x1xf32> to vector<8x4096xf32>
      %sub3A_275 = arith.subf %get3A_13, %sub3A_274 : vector<8x4096xf32>
      %mul3A_276 = arith.mulf %sub3A_271, %sub3A_271 : vector<8x4096xf32>
      %mul3A_277 = arith.mulf %sub3A_273, %sub3A_273 : vector<8x4096xf32>
      %add3A = arith.addf %mul3A_276, %mul3A_277 : vector<8x4096xf32>
      %mul3A_278 = arith.mulf %sub3A_275, %sub3A_275 : vector<8x4096xf32>
      %add3A_279 = arith.addf %add3A, %mul3A_278 : vector<8x4096xf32>
      %min3A = arith.minimumf %scan3A_235, %add3A_279 : vector<8x4096xf32>
      %reduce_max3A = arith.constant dense<0xFF800000> : vector<8xf32>
      %reduce_max3A_280 = vector.multi_reduction <maximumf>, %min3A, %reduce_max3A [1] : vector<8x4096xf32> to vector<8xf32>
      %broadcast_in_dim3A_281 = vector.shape_cast %reduce_max3A_280 : vector<8xf32> to vector<8x1xf32>
      %eq3A_282 = vector.broadcast %broadcast_in_dim3A_281 : vector<8x1xf32> to vector<8x4096xf32>
      %eq3A_283 = arith.cmpf oeq, %min3A, %eq3A_282 : vector<8x4096xf32>
      %jit3A_284 = arith.constant 4096 : i32
      %broadcast_in_dim3A_285 = vector.broadcast %jit3A_284 : i32 to vector<8x4096xi32>
      %select_n3A_286 = arith.select %eq3A_283, %iota3A, %broadcast_in_dim3A_285 : vector<8x4096xi1>, vector<8x4096xi32>
      %reduce_min3A = arith.constant dense<2147483647> : vector<8xi32>
      %reduce_min3A_287 = vector.multi_reduction <minsi>, %select_n3A_286, %reduce_min3A [1] : vector<8x4096xi32> to vector<8xi32>
      %broadcast_in_dim3A_288 = vector.shape_cast %reduce_min3A_287 : vector<8xi32> to vector<8x1xi32>
      scf.yield %min3A, %broadcast_in_dim3A_288, %select_n3A, %select_n3A_264, %select_n3A_267, %select_n3A_270 : vector<8x4096xf32>, vector<8x1xi32>, vector<8x128xi32>, vector<8x128xf32>, vector<8x128xf32>, vector<8x128xf32>
    }
    %scan3A_50 = arith.constant 128 : i32
    %swap3A_51 = arith.constant 0 : index
    %swap3A_52 = arith.constant 128 : index
    %swap3A_53 = vector.load %arg1[%swap3A_51, %swap3A_52] : memref<8x1024xi32, #tpu.memory_space<vmem>>, vector<8x128xi32>
    tpu.vector_store %arg1[%swap3A_51, %swap3A_52], %scan3A_49#2 {strides = array<i32>} : memref<8x1024xi32, #tpu.memory_space<vmem>>, vector<8x128xi32>,
    %swap3A_54 = arith.constant 0 : index
    %swap3A_55 = arith.constant 0 : index
    %swap3A_56 = arith.constant 128 : index
    %swap3A_57 = vector.load %arg2[%swap3A_54, %swap3A_55, %swap3A_56] : memref<3x8x1024xf32, #tpu.memory_space<vmem>>, vector<1x8x128xf32>
    %swap3A_58 = vector.shape_cast %swap3A_57 : vector<1x8x128xf32> to vector<8x128xf32>
    %swap3A_59 = vector.shape_cast %scan3A_49#3 : vector<8x128xf32> to vector<1x8x128xf32>
    tpu.vector_store %arg2[%swap3A_54, %swap3A_55, %swap3A_56], %swap3A_59 {strides = array<i32>} : memref<3x8x1024xf32, #tpu.memory_space<vmem>>, vector<1x8x128xf32>,
    %swap3A_60 = arith.constant 1 : index
    %swap3A_61 = arith.constant 0 : index
    %swap3A_62 = arith.constant 128 : index
    %swap3A_63 = vector.load %arg2[%swap3A_60, %swap3A_61, %swap3A_62] : memref<3x8x1024xf32, #tpu.memory_space<vmem>>, vector<1x8x128xf32>
    %swap3A_64 = vector.shape_cast %swap3A_63 : vector<1x8x128xf32> to vector<8x128xf32>
    %swap3A_65 = vector.shape_cast %scan3A_49#4 : vector<8x128xf32> to vector<1x8x128xf32>
    tpu.vector_store %arg2[%swap3A_60, %swap3A_61, %swap3A_62], %swap3A_65 {strides = array<i32>} : memref<3x8x1024xf32, #tpu.memory_space<vmem>>, vector<1x8x128xf32>,
    %swap3A_66 = arith.constant 2 : index
    %swap3A_67 = arith.constant 0 : index
    %swap3A_68 = arith.constant 128 : index
    %swap3A_69 = vector.load %arg2[%swap3A_66, %swap3A_67, %swap3A_68] : memref<3x8x1024xf32, #tpu.memory_space<vmem>>, vector<1x8x128xf32>
    %swap3A_70 = vector.shape_cast %swap3A_69 : vector<1x8x128xf32> to vector<8x128xf32>
    %swap3A_71 = vector.shape_cast %scan3A_49#5 : vector<8x128xf32> to vector<1x8x128xf32>
    tpu.vector_store %arg2[%swap3A_66, %swap3A_67, %swap3A_68], %swap3A_71 {strides = array<i32>} : memref<3x8x1024xf32, #tpu.memory_space<vmem>>, vector<1x8x128xf32>,
    %scan3A_72 = arith.constant 0 : i32
    %scan3A_73 = arith.constant 128 : i32
    %scan3A_74 = arith.addi %scan3A_72, %scan3A_73 : i32
    %scan3A_75 = arith.constant 1 : i32
    %scan3A_76:6 = scf.for %scan3A_234 = %scan3A_72 to %scan3A_74 step %scan3A_75 iter_args(%scan3A_235 = %scan3A_49#0, %scan3A_236 = %scan3A_49#1, %scan3A_237 = %scan3A_49#2, %scan3A_238 = %scan3A_49#3, %scan3A_239 = %scan3A_49#4, %scan3A_240 = %scan3A_49#5) -> (vector<8x4096xf32>, vector<8x1xi32>, vector<8x128xi32>, vector<8x128xf32>, vector<8x128xf32>, vector<8x128xf32>)  : i32 {
      %eq3A = vector.broadcast %scan3A_234 : i32 to vector<8x128xi32>
      %eq3A_241 = arith.cmpi eq, %iota3A_14, %eq3A : vector<8x128xi32>
      %broadcast_in_dim3A_242 = vector.shape_cast %scan3A_236 : vector<8x1xi32> to vector<8x1xi32>
      %broadcast_in_dim3A_243 = vector.broadcast %broadcast_in_dim3A_242 : vector<8x1xi32> to vector<8x128xi32>
      %select_n3A = arith.select %eq3A_241, %broadcast_in_dim3A_243, %scan3A_237 : vector<8x128xi1>, vector<8x128xi32>
      %eq3A_244 = vector.broadcast %scan3A_236 : vector<8x1xi32> to vector<8x4096xi32>
      %eq3A_245 = arith.cmpi eq, %iota3A, %eq3A_244 : vector<8x4096xi32>
      %jit3A = arith.constant 0.000000e+00 : f32
      %broadcast_in_dim3A_246 = vector.broadcast %jit3A : f32 to vector<8x4096xf32>
      %select_n3A_247 = arith.select %eq3A_245, %get3A_3, %broadcast_in_dim3A_246 : vector<8x4096xi1>, vector<8x4096xf32>
      %reduce_sum3A = arith.constant dense<0.000000e+00> : vector<8xf32>
      %reduce_sum3A_248 = vector.multi_reduction <add>, %select_n3A_247, %reduce_sum3A [1] : vector<8x4096xf32> to vector<8xf32>
      %broadcast_in_dim3A_249 = vector.shape_cast %reduce_sum3A_248 : vector<8xf32> to vector<8x1xf32>
      %jit3A_250 = arith.constant 0.000000e+00 : f32
      %broadcast_in_dim3A_251 = vector.broadcast %jit3A_250 : f32 to vector<8x4096xf32>
      %select_n3A_252 = arith.select %eq3A_245, %get3A_8, %broadcast_in_dim3A_251 : vector<8x4096xi1>, vector<8x4096xf32>
      %reduce_sum3A_253 = arith.constant dense<0.000000e+00> : vector<8xf32>
      %reduce_sum3A_254 = vector.multi_reduction <add>, %select_n3A_252, %reduce_sum3A_253 [1] : vector<8x4096xf32> to vector<8xf32>
      %broadcast_in_dim3A_255 = vector.shape_cast %reduce_sum3A_254 : vector<8xf32> to vector<8x1xf32>
      %jit3A_256 = arith.constant 0.000000e+00 : f32
      %broadcast_in_dim3A_257 = vector.broadcast %jit3A_256 : f32 to vector<8x4096xf32>
      %select_n3A_258 = arith.select %eq3A_245, %get3A_13, %broadcast_in_dim3A_257 : vector<8x4096xi1>, vector<8x4096xf32>
      %reduce_sum3A_259 = arith.constant dense<0.000000e+00> : vector<8xf32>
      %reduce_sum3A_260 = vector.multi_reduction <add>, %select_n3A_258, %reduce_sum3A_259 [1] : vector<8x4096xf32> to vector<8xf32>
      %broadcast_in_dim3A_261 = vector.shape_cast %reduce_sum3A_260 : vector<8xf32> to vector<8x1xf32>
      %broadcast_in_dim3A_262 = vector.shape_cast %broadcast_in_dim3A_249 : vector<8x1xf32> to vector<8x1xf32>
      %broadcast_in_dim3A_263 = vector.broadcast %broadcast_in_dim3A_262 : vector<8x1xf32> to vector<8x128xf32>
      %select_n3A_264 = arith.select %eq3A_241, %broadcast_in_dim3A_263, %scan3A_238 : vector<8x128xi1>, vector<8x128xf32>
      %broadcast_in_dim3A_265 = vector.shape_cast %broadcast_in_dim3A_255 : vector<8x1xf32> to vector<8x1xf32>
      %broadcast_in_dim3A_266 = vector.broadcast %broadcast_in_dim3A_265 : vector<8x1xf32> to vector<8x128xf32>
      %select_n3A_267 = arith.select %eq3A_241, %broadcast_in_dim3A_266, %scan3A_239 : vector<8x128xi1>, vector<8x128xf32>
      %broadcast_in_dim3A_268 = vector.shape_cast %broadcast_in_dim3A_261 : vector<8x1xf32> to vector<8x1xf32>
      %broadcast_in_dim3A_269 = vector.broadcast %broadcast_in_dim3A_268 : vector<8x1xf32> to vector<8x128xf32>
      %select_n3A_270 = arith.select %eq3A_241, %broadcast_in_dim3A_269, %scan3A_240 : vector<8x128xi1>, vector<8x128xf32>
      %sub3A = vector.broadcast %broadcast_in_dim3A_249 : vector<8x1xf32> to vector<8x4096xf32>
      %sub3A_271 = arith.subf %get3A_3, %sub3A : vector<8x4096xf32>
      %sub3A_272 = vector.broadcast %broadcast_in_dim3A_255 : vector<8x1xf32> to vector<8x4096xf32>
      %sub3A_273 = arith.subf %get3A_8, %sub3A_272 : vector<8x4096xf32>
      %sub3A_274 = vector.broadcast %broadcast_in_dim3A_261 : vector<8x1xf32> to vector<8x4096xf32>
      %sub3A_275 = arith.subf %get3A_13, %sub3A_274 : vector<8x4096xf32>
      %mul3A_276 = arith.mulf %sub3A_271, %sub3A_271 : vector<8x4096xf32>
      %mul3A_277 = arith.mulf %sub3A_273, %sub3A_273 : vector<8x4096xf32>
      %add3A = arith.addf %mul3A_276, %mul3A_277 : vector<8x4096xf32>
      %mul3A_278 = arith.mulf %sub3A_275, %sub3A_275 : vector<8x4096xf32>
      %add3A_279 = arith.addf %add3A, %mul3A_278 : vector<8x4096xf32>
      %min3A = arith.minimumf %scan3A_235, %add3A_279 : vector<8x4096xf32>
      %reduce_max3A = arith.constant dense<0xFF800000> : vector<8xf32>
      %reduce_max3A_280 = vector.multi_reduction <maximumf>, %min3A, %reduce_max3A [1] : vector<8x4096xf32> to vector<8xf32>
      %broadcast_in_dim3A_281 = vector.shape_cast %reduce_max3A_280 : vector<8xf32> to vector<8x1xf32>
      %eq3A_282 = vector.broadcast %broadcast_in_dim3A_281 : vector<8x1xf32> to vector<8x4096xf32>
      %eq3A_283 = arith.cmpf oeq, %min3A, %eq3A_282 : vector<8x4096xf32>
      %jit3A_284 = arith.constant 4096 : i32
      %broadcast_in_dim3A_285 = vector.broadcast %jit3A_284 : i32 to vector<8x4096xi32>
      %select_n3A_286 = arith.select %eq3A_283, %iota3A, %broadcast_in_dim3A_285 : vector<8x4096xi1>, vector<8x4096xi32>
      %reduce_min3A = arith.constant dense<2147483647> : vector<8xi32>
      %reduce_min3A_287 = vector.multi_reduction <minsi>, %select_n3A_286, %reduce_min3A [1] : vector<8x4096xi32> to vector<8xi32>
      %broadcast_in_dim3A_288 = vector.shape_cast %reduce_min3A_287 : vector<8xi32> to vector<8x1xi32>
      scf.yield %min3A, %broadcast_in_dim3A_288, %select_n3A, %select_n3A_264, %select_n3A_267, %select_n3A_270 : vector<8x4096xf32>, vector<8x1xi32>, vector<8x128xi32>, vector<8x128xf32>, vector<8x128xf32>, vector<8x128xf32>
    }
    %scan3A_77 = arith.constant 128 : i32
    %swap3A_78 = arith.constant 0 : index
    %swap3A_79 = arith.constant 256 : index
    %swap3A_80 = vector.load %arg1[%swap3A_78, %swap3A_79] : memref<8x1024xi32, #tpu.memory_space<vmem>>, vector<8x128xi32>
    tpu.vector_store %arg1[%swap3A_78, %swap3A_79], %scan3A_76#2 {strides = array<i32>} : memref<8x1024xi32, #tpu.memory_space<vmem>>, vector<8x128xi32>,
    %swap3A_81 = arith.constant 0 : index
    %swap3A_82 = arith.constant 0 : index
    %swap3A_83 = arith.constant 256 : index
    %swap3A_84 = vector.load %arg2[%swap3A_81, %swap3A_82, %swap3A_83] : memref<3x8x1024xf32, #tpu.memory_space<vmem>>, vector<1x8x128xf32>
    %swap3A_85 = vector.shape_cast %swap3A_84 : vector<1x8x128xf32> to vector<8x128xf32>
    %swap3A_86 = vector.shape_cast %scan3A_76#3 : vector<8x128xf32> to vector<1x8x128xf32>
    tpu.vector_store %arg2[%swap3A_81, %swap3A_82, %swap3A_83], %swap3A_86 {strides = array<i32>} : memref<3x8x1024xf32, #tpu.memory_space<vmem>>, vector<1x8x128xf32>,
    %swap3A_87 = arith.constant 1 : index
    %swap3A_88 = arith.constant 0 : index
    %swap3A_89 = arith.constant 256 : index
    %swap3A_90 = vector.load %arg2[%swap3A_87, %swap3A_88, %swap3A_89] : memref<3x8x1024xf32, #tpu.memory_space<vmem>>, vector<1x8x128xf32>
    %swap3A_91 = vector.shape_cast %swap3A_90 : vector<1x8x128xf32> to vector<8x128xf32>
    %swap3A_92 = vector.shape_cast %scan3A_76#4 : vector<8x128xf32> to vector<1x8x128xf32>
    tpu.vector_store %arg2[%swap3A_87, %swap3A_88, %swap3A_89], %swap3A_92 {strides = array<i32>} : memref<3x8x1024xf32, #tpu.memory_space<vmem>>, vector<1x8x128xf32>,
    %swap3A_93 = arith.constant 2 : index
    %swap3A_94 = arith.constant 0 : index
    %swap3A_95 = arith.constant 256 : index
    %swap3A_96 = vector.load %arg2[%swap3A_93, %swap3A_94, %swap3A_95] : memref<3x8x1024xf32, #tpu.memory_space<vmem>>, vector<1x8x128xf32>
    %swap3A_97 = vector.shape_cast %swap3A_96 : vector<1x8x128xf32> to vector<8x128xf32>
    %swap3A_98 = vector.shape_cast %scan3A_76#5 : vector<8x128xf32> to vector<1x8x128xf32>
    tpu.vector_store %arg2[%swap3A_93, %swap3A_94, %swap3A_95], %swap3A_98 {strides = array<i32>} : memref<3x8x1024xf32, #tpu.memory_space<vmem>>, vector<1x8x128xf32>,
    %scan3A_99 = arith.constant 0 : i32
    %scan3A_100 = arith.constant 128 : i32
    %scan3A_101 = arith.addi %scan3A_99, %scan3A_100 : i32
    %scan3A_102 = arith.constant 1 : i32
    %scan3A_103:6 = scf.for %scan3A_234 = %scan3A_99 to %scan3A_101 step %scan3A_102 iter_args(%scan3A_235 = %scan3A_76#0, %scan3A_236 = %scan3A_76#1, %scan3A_237 = %scan3A_76#2, %scan3A_238 = %scan3A_76#3, %scan3A_239 = %scan3A_76#4, %scan3A_240 = %scan3A_76#5) -> (vector<8x4096xf32>, vector<8x1xi32>, vector<8x128xi32>, vector<8x128xf32>, vector<8x128xf32>, vector<8x128xf32>)  : i32 {
      %eq3A = vector.broadcast %scan3A_234 : i32 to vector<8x128xi32>
      %eq3A_241 = arith.cmpi eq, %iota3A_14, %eq3A : vector<8x128xi32>
      %broadcast_in_dim3A_242 = vector.shape_cast %scan3A_236 : vector<8x1xi32> to vector<8x1xi32>
      %broadcast_in_dim3A_243 = vector.broadcast %broadcast_in_dim3A_242 : vector<8x1xi32> to vector<8x128xi32>
      %select_n3A = arith.select %eq3A_241, %broadcast_in_dim3A_243, %scan3A_237 : vector<8x128xi1>, vector<8x128xi32>
      %eq3A_244 = vector.broadcast %scan3A_236 : vector<8x1xi32> to vector<8x4096xi32>
      %eq3A_245 = arith.cmpi eq, %iota3A, %eq3A_244 : vector<8x4096xi32>
      %jit3A = arith.constant 0.000000e+00 : f32
      %broadcast_in_dim3A_246 = vector.broadcast %jit3A : f32 to vector<8x4096xf32>
      %select_n3A_247 = arith.select %eq3A_245, %get3A_3, %broadcast_in_dim3A_246 : vector<8x4096xi1>, vector<8x4096xf32>
      %reduce_sum3A = arith.constant dense<0.000000e+00> : vector<8xf32>
      %reduce_sum3A_248 = vector.multi_reduction <add>, %select_n3A_247, %reduce_sum3A [1] : vector<8x4096xf32> to vector<8xf32>
      %broadcast_in_dim3A_249 = vector.shape_cast %reduce_sum3A_248 : vector<8xf32> to vector<8x1xf32>
      %jit3A_250 = arith.constant 0.000000e+00 : f32
      %broadcast_in_dim3A_251 = vector.broadcast %jit3A_250 : f32 to vector<8x4096xf32>
      %select_n3A_252 = arith.select %eq3A_245, %get3A_8, %broadcast_in_dim3A_251 : vector<8x4096xi1>, vector<8x4096xf32>
      %reduce_sum3A_253 = arith.constant dense<0.000000e+00> : vector<8xf32>
      %reduce_sum3A_254 = vector.multi_reduction <add>, %select_n3A_252, %reduce_sum3A_253 [1] : vector<8x4096xf32> to vector<8xf32>
      %broadcast_in_dim3A_255 = vector.shape_cast %reduce_sum3A_254 : vector<8xf32> to vector<8x1xf32>
      %jit3A_256 = arith.constant 0.000000e+00 : f32
      %broadcast_in_dim3A_257 = vector.broadcast %jit3A_256 : f32 to vector<8x4096xf32>
      %select_n3A_258 = arith.select %eq3A_245, %get3A_13, %broadcast_in_dim3A_257 : vector<8x4096xi1>, vector<8x4096xf32>
      %reduce_sum3A_259 = arith.constant dense<0.000000e+00> : vector<8xf32>
      %reduce_sum3A_260 = vector.multi_reduction <add>, %select_n3A_258, %reduce_sum3A_259 [1] : vector<8x4096xf32> to vector<8xf32>
      %broadcast_in_dim3A_261 = vector.shape_cast %reduce_sum3A_260 : vector<8xf32> to vector<8x1xf32>
      %broadcast_in_dim3A_262 = vector.shape_cast %broadcast_in_dim3A_249 : vector<8x1xf32> to vector<8x1xf32>
      %broadcast_in_dim3A_263 = vector.broadcast %broadcast_in_dim3A_262 : vector<8x1xf32> to vector<8x128xf32>
      %select_n3A_264 = arith.select %eq3A_241, %broadcast_in_dim3A_263, %scan3A_238 : vector<8x128xi1>, vector<8x128xf32>
      %broadcast_in_dim3A_265 = vector.shape_cast %broadcast_in_dim3A_255 : vector<8x1xf32> to vector<8x1xf32>
      %broadcast_in_dim3A_266 = vector.broadcast %broadcast_in_dim3A_265 : vector<8x1xf32> to vector<8x128xf32>
      %select_n3A_267 = arith.select %eq3A_241, %broadcast_in_dim3A_266, %scan3A_239 : vector<8x128xi1>, vector<8x128xf32>
      %broadcast_in_dim3A_268 = vector.shape_cast %broadcast_in_dim3A_261 : vector<8x1xf32> to vector<8x1xf32>
      %broadcast_in_dim3A_269 = vector.broadcast %broadcast_in_dim3A_268 : vector<8x1xf32> to vector<8x128xf32>
      %select_n3A_270 = arith.select %eq3A_241, %broadcast_in_dim3A_269, %scan3A_240 : vector<8x128xi1>, vector<8x128xf32>
      %sub3A = vector.broadcast %broadcast_in_dim3A_249 : vector<8x1xf32> to vector<8x4096xf32>
      %sub3A_271 = arith.subf %get3A_3, %sub3A : vector<8x4096xf32>
      %sub3A_272 = vector.broadcast %broadcast_in_dim3A_255 : vector<8x1xf32> to vector<8x4096xf32>
      %sub3A_273 = arith.subf %get3A_8, %sub3A_272 : vector<8x4096xf32>
      %sub3A_274 = vector.broadcast %broadcast_in_dim3A_261 : vector<8x1xf32> to vector<8x4096xf32>
      %sub3A_275 = arith.subf %get3A_13, %sub3A_274 : vector<8x4096xf32>
      %mul3A_276 = arith.mulf %sub3A_271, %sub3A_271 : vector<8x4096xf32>
      %mul3A_277 = arith.mulf %sub3A_273, %sub3A_273 : vector<8x4096xf32>
      %add3A = arith.addf %mul3A_276, %mul3A_277 : vector<8x4096xf32>
      %mul3A_278 = arith.mulf %sub3A_275, %sub3A_275 : vector<8x4096xf32>
      %add3A_279 = arith.addf %add3A, %mul3A_278 : vector<8x4096xf32>
      %min3A = arith.minimumf %scan3A_235, %add3A_279 : vector<8x4096xf32>
      %reduce_max3A = arith.constant dense<0xFF800000> : vector<8xf32>
      %reduce_max3A_280 = vector.multi_reduction <maximumf>, %min3A, %reduce_max3A [1] : vector<8x4096xf32> to vector<8xf32>
      %broadcast_in_dim3A_281 = vector.shape_cast %reduce_max3A_280 : vector<8xf32> to vector<8x1xf32>
      %eq3A_282 = vector.broadcast %broadcast_in_dim3A_281 : vector<8x1xf32> to vector<8x4096xf32>
      %eq3A_283 = arith.cmpf oeq, %min3A, %eq3A_282 : vector<8x4096xf32>
      %jit3A_284 = arith.constant 4096 : i32
      %broadcast_in_dim3A_285 = vector.broadcast %jit3A_284 : i32 to vector<8x4096xi32>
      %select_n3A_286 = arith.select %eq3A_283, %iota3A, %broadcast_in_dim3A_285 : vector<8x4096xi1>, vector<8x4096xi32>
      %reduce_min3A = arith.constant dense<2147483647> : vector<8xi32>
      %reduce_min3A_287 = vector.multi_reduction <minsi>, %select_n3A_286, %reduce_min3A [1] : vector<8x4096xi32> to vector<8xi32>
      %broadcast_in_dim3A_288 = vector.shape_cast %reduce_min3A_287 : vector<8xi32> to vector<8x1xi32>
      scf.yield %min3A, %broadcast_in_dim3A_288, %select_n3A, %select_n3A_264, %select_n3A_267, %select_n3A_270 : vector<8x4096xf32>, vector<8x1xi32>, vector<8x128xi32>, vector<8x128xf32>, vector<8x128xf32>, vector<8x128xf32>
    }
    %scan3A_104 = arith.constant 128 : i32
    %swap3A_105 = arith.constant 0 : index
    %swap3A_106 = arith.constant 384 : index
    %swap3A_107 = vector.load %arg1[%swap3A_105, %swap3A_106] : memref<8x1024xi32, #tpu.memory_space<vmem>>, vector<8x128xi32>
    tpu.vector_store %arg1[%swap3A_105, %swap3A_106], %scan3A_103#2 {strides = array<i32>} : memref<8x1024xi32, #tpu.memory_space<vmem>>, vector<8x128xi32>,
    %swap3A_108 = arith.constant 0 : index
    %swap3A_109 = arith.constant 0 : index
    %swap3A_110 = arith.constant 384 : index
    %swap3A_111 = vector.load %arg2[%swap3A_108, %swap3A_109, %swap3A_110] : memref<3x8x1024xf32, #tpu.memory_space<vmem>>, vector<1x8x128xf32>
    %swap3A_112 = vector.shape_cast %swap3A_111 : vector<1x8x128xf32> to vector<8x128xf32>
    %swap3A_113 = vector.shape_cast %scan3A_103#3 : vector<8x128xf32> to vector<1x8x128xf32>
    tpu.vector_store %arg2[%swap3A_108, %swap3A_109, %swap3A_110], %swap3A_113 {strides = array<i32>} : memref<3x8x1024xf32, #tpu.memory_space<vmem>>, vector<1x8x128xf32>,
    %swap3A_114 = arith.constant 1 : index
    %swap3A_115 = arith.constant 0 : index
    %swap3A_116 = arith.constant 384 : index
    %swap3A_117 = vector.load %arg2[%swap3A_114, %swap3A_115, %swap3A_116] : memref<3x8x1024xf32, #tpu.memory_space<vmem>>, vector<1x8x128xf32>
    %swap3A_118 = vector.shape_cast %swap3A_117 : vector<1x8x128xf32> to vector<8x128xf32>
    %swap3A_119 = vector.shape_cast %scan3A_103#4 : vector<8x128xf32> to vector<1x8x128xf32>
    tpu.vector_store %arg2[%swap3A_114, %swap3A_115, %swap3A_116], %swap3A_119 {strides = array<i32>} : memref<3x8x1024xf32, #tpu.memory_space<vmem>>, vector<1x8x128xf32>,
    %swap3A_120 = arith.constant 2 : index
    %swap3A_121 = arith.constant 0 : index
    %swap3A_122 = arith.constant 384 : index
    %swap3A_123 = vector.load %arg2[%swap3A_120, %swap3A_121, %swap3A_122] : memref<3x8x1024xf32, #tpu.memory_space<vmem>>, vector<1x8x128xf32>
    %swap3A_124 = vector.shape_cast %swap3A_123 : vector<1x8x128xf32> to vector<8x128xf32>
    %swap3A_125 = vector.shape_cast %scan3A_103#5 : vector<8x128xf32> to vector<1x8x128xf32>
    tpu.vector_store %arg2[%swap3A_120, %swap3A_121, %swap3A_122], %swap3A_125 {strides = array<i32>} : memref<3x8x1024xf32, #tpu.memory_space<vmem>>, vector<1x8x128xf32>,
    %scan3A_126 = arith.constant 0 : i32
    %scan3A_127 = arith.constant 128 : i32
    %scan3A_128 = arith.addi %scan3A_126, %scan3A_127 : i32
    %scan3A_129 = arith.constant 1 : i32
    %scan3A_130:6 = scf.for %scan3A_234 = %scan3A_126 to %scan3A_128 step %scan3A_129 iter_args(%scan3A_235 = %scan3A_103#0, %scan3A_236 = %scan3A_103#1, %scan3A_237 = %scan3A_103#2, %scan3A_238 = %scan3A_103#3, %scan3A_239 = %scan3A_103#4, %scan3A_240 = %scan3A_103#5) -> (vector<8x4096xf32>, vector<8x1xi32>, vector<8x128xi32>, vector<8x128xf32>, vector<8x128xf32>, vector<8x128xf32>)  : i32 {
      %eq3A = vector.broadcast %scan3A_234 : i32 to vector<8x128xi32>
      %eq3A_241 = arith.cmpi eq, %iota3A_14, %eq3A : vector<8x128xi32>
      %broadcast_in_dim3A_242 = vector.shape_cast %scan3A_236 : vector<8x1xi32> to vector<8x1xi32>
      %broadcast_in_dim3A_243 = vector.broadcast %broadcast_in_dim3A_242 : vector<8x1xi32> to vector<8x128xi32>
      %select_n3A = arith.select %eq3A_241, %broadcast_in_dim3A_243, %scan3A_237 : vector<8x128xi1>, vector<8x128xi32>
      %eq3A_244 = vector.broadcast %scan3A_236 : vector<8x1xi32> to vector<8x4096xi32>
      %eq3A_245 = arith.cmpi eq, %iota3A, %eq3A_244 : vector<8x4096xi32>
      %jit3A = arith.constant 0.000000e+00 : f32
      %broadcast_in_dim3A_246 = vector.broadcast %jit3A : f32 to vector<8x4096xf32>
      %select_n3A_247 = arith.select %eq3A_245, %get3A_3, %broadcast_in_dim3A_246 : vector<8x4096xi1>, vector<8x4096xf32>
      %reduce_sum3A = arith.constant dense<0.000000e+00> : vector<8xf32>
      %reduce_sum3A_248 = vector.multi_reduction <add>, %select_n3A_247, %reduce_sum3A [1] : vector<8x4096xf32> to vector<8xf32>
      %broadcast_in_dim3A_249 = vector.shape_cast %reduce_sum3A_248 : vector<8xf32> to vector<8x1xf32>
      %jit3A_250 = arith.constant 0.000000e+00 : f32
      %broadcast_in_dim3A_251 = vector.broadcast %jit3A_250 : f32 to vector<8x4096xf32>
      %select_n3A_252 = arith.select %eq3A_245, %get3A_8, %broadcast_in_dim3A_251 : vector<8x4096xi1>, vector<8x4096xf32>
      %reduce_sum3A_253 = arith.constant dense<0.000000e+00> : vector<8xf32>
      %reduce_sum3A_254 = vector.multi_reduction <add>, %select_n3A_252, %reduce_sum3A_253 [1] : vector<8x4096xf32> to vector<8xf32>
      %broadcast_in_dim3A_255 = vector.shape_cast %reduce_sum3A_254 : vector<8xf32> to vector<8x1xf32>
      %jit3A_256 = arith.constant 0.000000e+00 : f32
      %broadcast_in_dim3A_257 = vector.broadcast %jit3A_256 : f32 to vector<8x4096xf32>
      %select_n3A_258 = arith.select %eq3A_245, %get3A_13, %broadcast_in_dim3A_257 : vector<8x4096xi1>, vector<8x4096xf32>
      %reduce_sum3A_259 = arith.constant dense<0.000000e+00> : vector<8xf32>
      %reduce_sum3A_260 = vector.multi_reduction <add>, %select_n3A_258, %reduce_sum3A_259 [1] : vector<8x4096xf32> to vector<8xf32>
      %broadcast_in_dim3A_261 = vector.shape_cast %reduce_sum3A_260 : vector<8xf32> to vector<8x1xf32>
      %broadcast_in_dim3A_262 = vector.shape_cast %broadcast_in_dim3A_249 : vector<8x1xf32> to vector<8x1xf32>
      %broadcast_in_dim3A_263 = vector.broadcast %broadcast_in_dim3A_262 : vector<8x1xf32> to vector<8x128xf32>
      %select_n3A_264 = arith.select %eq3A_241, %broadcast_in_dim3A_263, %scan3A_238 : vector<8x128xi1>, vector<8x128xf32>
      %broadcast_in_dim3A_265 = vector.shape_cast %broadcast_in_dim3A_255 : vector<8x1xf32> to vector<8x1xf32>
      %broadcast_in_dim3A_266 = vector.broadcast %broadcast_in_dim3A_265 : vector<8x1xf32> to vector<8x128xf32>
      %select_n3A_267 = arith.select %eq3A_241, %broadcast_in_dim3A_266, %scan3A_239 : vector<8x128xi1>, vector<8x128xf32>
      %broadcast_in_dim3A_268 = vector.shape_cast %broadcast_in_dim3A_261 : vector<8x1xf32> to vector<8x1xf32>
      %broadcast_in_dim3A_269 = vector.broadcast %broadcast_in_dim3A_268 : vector<8x1xf32> to vector<8x128xf32>
      %select_n3A_270 = arith.select %eq3A_241, %broadcast_in_dim3A_269, %scan3A_240 : vector<8x128xi1>, vector<8x128xf32>
      %sub3A = vector.broadcast %broadcast_in_dim3A_249 : vector<8x1xf32> to vector<8x4096xf32>
      %sub3A_271 = arith.subf %get3A_3, %sub3A : vector<8x4096xf32>
      %sub3A_272 = vector.broadcast %broadcast_in_dim3A_255 : vector<8x1xf32> to vector<8x4096xf32>
      %sub3A_273 = arith.subf %get3A_8, %sub3A_272 : vector<8x4096xf32>
      %sub3A_274 = vector.broadcast %broadcast_in_dim3A_261 : vector<8x1xf32> to vector<8x4096xf32>
      %sub3A_275 = arith.subf %get3A_13, %sub3A_274 : vector<8x4096xf32>
      %mul3A_276 = arith.mulf %sub3A_271, %sub3A_271 : vector<8x4096xf32>
      %mul3A_277 = arith.mulf %sub3A_273, %sub3A_273 : vector<8x4096xf32>
      %add3A = arith.addf %mul3A_276, %mul3A_277 : vector<8x4096xf32>
      %mul3A_278 = arith.mulf %sub3A_275, %sub3A_275 : vector<8x4096xf32>
      %add3A_279 = arith.addf %add3A, %mul3A_278 : vector<8x4096xf32>
      %min3A = arith.minimumf %scan3A_235, %add3A_279 : vector<8x4096xf32>
      %reduce_max3A = arith.constant dense<0xFF800000> : vector<8xf32>
      %reduce_max3A_280 = vector.multi_reduction <maximumf>, %min3A, %reduce_max3A [1] : vector<8x4096xf32> to vector<8xf32>
      %broadcast_in_dim3A_281 = vector.shape_cast %reduce_max3A_280 : vector<8xf32> to vector<8x1xf32>
      %eq3A_282 = vector.broadcast %broadcast_in_dim3A_281 : vector<8x1xf32> to vector<8x4096xf32>
      %eq3A_283 = arith.cmpf oeq, %min3A, %eq3A_282 : vector<8x4096xf32>
      %jit3A_284 = arith.constant 4096 : i32
      %broadcast_in_dim3A_285 = vector.broadcast %jit3A_284 : i32 to vector<8x4096xi32>
      %select_n3A_286 = arith.select %eq3A_283, %iota3A, %broadcast_in_dim3A_285 : vector<8x4096xi1>, vector<8x4096xi32>
      %reduce_min3A = arith.constant dense<2147483647> : vector<8xi32>
      %reduce_min3A_287 = vector.multi_reduction <minsi>, %select_n3A_286, %reduce_min3A [1] : vector<8x4096xi32> to vector<8xi32>
      %broadcast_in_dim3A_288 = vector.shape_cast %reduce_min3A_287 : vector<8xi32> to vector<8x1xi32>
      scf.yield %min3A, %broadcast_in_dim3A_288, %select_n3A, %select_n3A_264, %select_n3A_267, %select_n3A_270 : vector<8x4096xf32>, vector<8x1xi32>, vector<8x128xi32>, vector<8x128xf32>, vector<8x128xf32>, vector<8x128xf32>
    }
    %scan3A_131 = arith.constant 128 : i32
    %swap3A_132 = arith.constant 0 : index
    %swap3A_133 = arith.constant 512 : index
    %swap3A_134 = vector.load %arg1[%swap3A_132, %swap3A_133] : memref<8x1024xi32, #tpu.memory_space<vmem>>, vector<8x128xi32>
    tpu.vector_store %arg1[%swap3A_132, %swap3A_133], %scan3A_130#2 {strides = array<i32>} : memref<8x1024xi32, #tpu.memory_space<vmem>>, vector<8x128xi32>,
    %swap3A_135 = arith.constant 0 : index
    %swap3A_136 = arith.constant 0 : index
    %swap3A_137 = arith.constant 512 : index
    %swap3A_138 = vector.load %arg2[%swap3A_135, %swap3A_136, %swap3A_137] : memref<3x8x1024xf32, #tpu.memory_space<vmem>>, vector<1x8x128xf32>
    %swap3A_139 = vector.shape_cast %swap3A_138 : vector<1x8x128xf32> to vector<8x128xf32>
    %swap3A_140 = vector.shape_cast %scan3A_130#3 : vector<8x128xf32> to vector<1x8x128xf32>
    tpu.vector_store %arg2[%swap3A_135, %swap3A_136, %swap3A_137], %swap3A_140 {strides = array<i32>} : memref<3x8x1024xf32, #tpu.memory_space<vmem>>, vector<1x8x128xf32>,
    %swap3A_141 = arith.constant 1 : index
    %swap3A_142 = arith.constant 0 : index
    %swap3A_143 = arith.constant 512 : index
    %swap3A_144 = vector.load %arg2[%swap3A_141, %swap3A_142, %swap3A_143] : memref<3x8x1024xf32, #tpu.memory_space<vmem>>, vector<1x8x128xf32>
    %swap3A_145 = vector.shape_cast %swap3A_144 : vector<1x8x128xf32> to vector<8x128xf32>
    %swap3A_146 = vector.shape_cast %scan3A_130#4 : vector<8x128xf32> to vector<1x8x128xf32>
    tpu.vector_store %arg2[%swap3A_141, %swap3A_142, %swap3A_143], %swap3A_146 {strides = array<i32>} : memref<3x8x1024xf32, #tpu.memory_space<vmem>>, vector<1x8x128xf32>,
    %swap3A_147 = arith.constant 2 : index
    %swap3A_148 = arith.constant 0 : index
    %swap3A_149 = arith.constant 512 : index
    %swap3A_150 = vector.load %arg2[%swap3A_147, %swap3A_148, %swap3A_149] : memref<3x8x1024xf32, #tpu.memory_space<vmem>>, vector<1x8x128xf32>
    %swap3A_151 = vector.shape_cast %swap3A_150 : vector<1x8x128xf32> to vector<8x128xf32>
    %swap3A_152 = vector.shape_cast %scan3A_130#5 : vector<8x128xf32> to vector<1x8x128xf32>
    tpu.vector_store %arg2[%swap3A_147, %swap3A_148, %swap3A_149], %swap3A_152 {strides = array<i32>} : memref<3x8x1024xf32, #tpu.memory_space<vmem>>, vector<1x8x128xf32>,
    %scan3A_153 = arith.constant 0 : i32
    %scan3A_154 = arith.constant 128 : i32
    %scan3A_155 = arith.addi %scan3A_153, %scan3A_154 : i32
    %scan3A_156 = arith.constant 1 : i32
    %scan3A_157:6 = scf.for %scan3A_234 = %scan3A_153 to %scan3A_155 step %scan3A_156 iter_args(%scan3A_235 = %scan3A_130#0, %scan3A_236 = %scan3A_130#1, %scan3A_237 = %scan3A_130#2, %scan3A_238 = %scan3A_130#3, %scan3A_239 = %scan3A_130#4, %scan3A_240 = %scan3A_130#5) -> (vector<8x4096xf32>, vector<8x1xi32>, vector<8x128xi32>, vector<8x128xf32>, vector<8x128xf32>, vector<8x128xf32>)  : i32 {
      %eq3A = vector.broadcast %scan3A_234 : i32 to vector<8x128xi32>
      %eq3A_241 = arith.cmpi eq, %iota3A_14, %eq3A : vector<8x128xi32>
      %broadcast_in_dim3A_242 = vector.shape_cast %scan3A_236 : vector<8x1xi32> to vector<8x1xi32>
      %broadcast_in_dim3A_243 = vector.broadcast %broadcast_in_dim3A_242 : vector<8x1xi32> to vector<8x128xi32>
      %select_n3A = arith.select %eq3A_241, %broadcast_in_dim3A_243, %scan3A_237 : vector<8x128xi1>, vector<8x128xi32>
      %eq3A_244 = vector.broadcast %scan3A_236 : vector<8x1xi32> to vector<8x4096xi32>
      %eq3A_245 = arith.cmpi eq, %iota3A, %eq3A_244 : vector<8x4096xi32>
      %jit3A = arith.constant 0.000000e+00 : f32
      %broadcast_in_dim3A_246 = vector.broadcast %jit3A : f32 to vector<8x4096xf32>
      %select_n3A_247 = arith.select %eq3A_245, %get3A_3, %broadcast_in_dim3A_246 : vector<8x4096xi1>, vector<8x4096xf32>
      %reduce_sum3A = arith.constant dense<0.000000e+00> : vector<8xf32>
      %reduce_sum3A_248 = vector.multi_reduction <add>, %select_n3A_247, %reduce_sum3A [1] : vector<8x4096xf32> to vector<8xf32>
      %broadcast_in_dim3A_249 = vector.shape_cast %reduce_sum3A_248 : vector<8xf32> to vector<8x1xf32>
      %jit3A_250 = arith.constant 0.000000e+00 : f32
      %broadcast_in_dim3A_251 = vector.broadcast %jit3A_250 : f32 to vector<8x4096xf32>
      %select_n3A_252 = arith.select %eq3A_245, %get3A_8, %broadcast_in_dim3A_251 : vector<8x4096xi1>, vector<8x4096xf32>
      %reduce_sum3A_253 = arith.constant dense<0.000000e+00> : vector<8xf32>
      %reduce_sum3A_254 = vector.multi_reduction <add>, %select_n3A_252, %reduce_sum3A_253 [1] : vector<8x4096xf32> to vector<8xf32>
      %broadcast_in_dim3A_255 = vector.shape_cast %reduce_sum3A_254 : vector<8xf32> to vector<8x1xf32>
      %jit3A_256 = arith.constant 0.000000e+00 : f32
      %broadcast_in_dim3A_257 = vector.broadcast %jit3A_256 : f32 to vector<8x4096xf32>
      %select_n3A_258 = arith.select %eq3A_245, %get3A_13, %broadcast_in_dim3A_257 : vector<8x4096xi1>, vector<8x4096xf32>
      %reduce_sum3A_259 = arith.constant dense<0.000000e+00> : vector<8xf32>
      %reduce_sum3A_260 = vector.multi_reduction <add>, %select_n3A_258, %reduce_sum3A_259 [1] : vector<8x4096xf32> to vector<8xf32>
      %broadcast_in_dim3A_261 = vector.shape_cast %reduce_sum3A_260 : vector<8xf32> to vector<8x1xf32>
      %broadcast_in_dim3A_262 = vector.shape_cast %broadcast_in_dim3A_249 : vector<8x1xf32> to vector<8x1xf32>
      %broadcast_in_dim3A_263 = vector.broadcast %broadcast_in_dim3A_262 : vector<8x1xf32> to vector<8x128xf32>
      %select_n3A_264 = arith.select %eq3A_241, %broadcast_in_dim3A_263, %scan3A_238 : vector<8x128xi1>, vector<8x128xf32>
      %broadcast_in_dim3A_265 = vector.shape_cast %broadcast_in_dim3A_255 : vector<8x1xf32> to vector<8x1xf32>
      %broadcast_in_dim3A_266 = vector.broadcast %broadcast_in_dim3A_265 : vector<8x1xf32> to vector<8x128xf32>
      %select_n3A_267 = arith.select %eq3A_241, %broadcast_in_dim3A_266, %scan3A_239 : vector<8x128xi1>, vector<8x128xf32>
      %broadcast_in_dim3A_268 = vector.shape_cast %broadcast_in_dim3A_261 : vector<8x1xf32> to vector<8x1xf32>
      %broadcast_in_dim3A_269 = vector.broadcast %broadcast_in_dim3A_268 : vector<8x1xf32> to vector<8x128xf32>
      %select_n3A_270 = arith.select %eq3A_241, %broadcast_in_dim3A_269, %scan3A_240 : vector<8x128xi1>, vector<8x128xf32>
      %sub3A = vector.broadcast %broadcast_in_dim3A_249 : vector<8x1xf32> to vector<8x4096xf32>
      %sub3A_271 = arith.subf %get3A_3, %sub3A : vector<8x4096xf32>
      %sub3A_272 = vector.broadcast %broadcast_in_dim3A_255 : vector<8x1xf32> to vector<8x4096xf32>
      %sub3A_273 = arith.subf %get3A_8, %sub3A_272 : vector<8x4096xf32>
      %sub3A_274 = vector.broadcast %broadcast_in_dim3A_261 : vector<8x1xf32> to vector<8x4096xf32>
      %sub3A_275 = arith.subf %get3A_13, %sub3A_274 : vector<8x4096xf32>
      %mul3A_276 = arith.mulf %sub3A_271, %sub3A_271 : vector<8x4096xf32>
      %mul3A_277 = arith.mulf %sub3A_273, %sub3A_273 : vector<8x4096xf32>
      %add3A = arith.addf %mul3A_276, %mul3A_277 : vector<8x4096xf32>
      %mul3A_278 = arith.mulf %sub3A_275, %sub3A_275 : vector<8x4096xf32>
      %add3A_279 = arith.addf %add3A, %mul3A_278 : vector<8x4096xf32>
      %min3A = arith.minimumf %scan3A_235, %add3A_279 : vector<8x4096xf32>
      %reduce_max3A = arith.constant dense<0xFF800000> : vector<8xf32>
      %reduce_max3A_280 = vector.multi_reduction <maximumf>, %min3A, %reduce_max3A [1] : vector<8x4096xf32> to vector<8xf32>
      %broadcast_in_dim3A_281 = vector.shape_cast %reduce_max3A_280 : vector<8xf32> to vector<8x1xf32>
      %eq3A_282 = vector.broadcast %broadcast_in_dim3A_281 : vector<8x1xf32> to vector<8x4096xf32>
      %eq3A_283 = arith.cmpf oeq, %min3A, %eq3A_282 : vector<8x4096xf32>
      %jit3A_284 = arith.constant 4096 : i32
      %broadcast_in_dim3A_285 = vector.broadcast %jit3A_284 : i32 to vector<8x4096xi32>
      %select_n3A_286 = arith.select %eq3A_283, %iota3A, %broadcast_in_dim3A_285 : vector<8x4096xi1>, vector<8x4096xi32>
      %reduce_min3A = arith.constant dense<2147483647> : vector<8xi32>
      %reduce_min3A_287 = vector.multi_reduction <minsi>, %select_n3A_286, %reduce_min3A [1] : vector<8x4096xi32> to vector<8xi32>
      %broadcast_in_dim3A_288 = vector.shape_cast %reduce_min3A_287 : vector<8xi32> to vector<8x1xi32>
      scf.yield %min3A, %broadcast_in_dim3A_288, %select_n3A, %select_n3A_264, %select_n3A_267, %select_n3A_270 : vector<8x4096xf32>, vector<8x1xi32>, vector<8x128xi32>, vector<8x128xf32>, vector<8x128xf32>, vector<8x128xf32>
    }
    %scan3A_158 = arith.constant 128 : i32
    %swap3A_159 = arith.constant 0 : index
    %swap3A_160 = arith.constant 640 : index
    %swap3A_161 = vector.load %arg1[%swap3A_159, %swap3A_160] : memref<8x1024xi32, #tpu.memory_space<vmem>>, vector<8x128xi32>
    tpu.vector_store %arg1[%swap3A_159, %swap3A_160], %scan3A_157#2 {strides = array<i32>} : memref<8x1024xi32, #tpu.memory_space<vmem>>, vector<8x128xi32>,
    %swap3A_162 = arith.constant 0 : index
    %swap3A_163 = arith.constant 0 : index
    %swap3A_164 = arith.constant 640 : index
    %swap3A_165 = vector.load %arg2[%swap3A_162, %swap3A_163, %swap3A_164] : memref<3x8x1024xf32, #tpu.memory_space<vmem>>, vector<1x8x128xf32>
    %swap3A_166 = vector.shape_cast %swap3A_165 : vector<1x8x128xf32> to vector<8x128xf32>
    %swap3A_167 = vector.shape_cast %scan3A_157#3 : vector<8x128xf32> to vector<1x8x128xf32>
    tpu.vector_store %arg2[%swap3A_162, %swap3A_163, %swap3A_164], %swap3A_167 {strides = array<i32>} : memref<3x8x1024xf32, #tpu.memory_space<vmem>>, vector<1x8x128xf32>,
    %swap3A_168 = arith.constant 1 : index
    %swap3A_169 = arith.constant 0 : index
    %swap3A_170 = arith.constant 640 : index
    %swap3A_171 = vector.load %arg2[%swap3A_168, %swap3A_169, %swap3A_170] : memref<3x8x1024xf32, #tpu.memory_space<vmem>>, vector<1x8x128xf32>
    %swap3A_172 = vector.shape_cast %swap3A_171 : vector<1x8x128xf32> to vector<8x128xf32>
    %swap3A_173 = vector.shape_cast %scan3A_157#4 : vector<8x128xf32> to vector<1x8x128xf32>
    tpu.vector_store %arg2[%swap3A_168, %swap3A_169, %swap3A_170], %swap3A_173 {strides = array<i32>} : memref<3x8x1024xf32, #tpu.memory_space<vmem>>, vector<1x8x128xf32>,
    %swap3A_174 = arith.constant 2 : index
    %swap3A_175 = arith.constant 0 : index
    %swap3A_176 = arith.constant 640 : index
    %swap3A_177 = vector.load %arg2[%swap3A_174, %swap3A_175, %swap3A_176] : memref<3x8x1024xf32, #tpu.memory_space<vmem>>, vector<1x8x128xf32>
    %swap3A_178 = vector.shape_cast %swap3A_177 : vector<1x8x128xf32> to vector<8x128xf32>
    %swap3A_179 = vector.shape_cast %scan3A_157#5 : vector<8x128xf32> to vector<1x8x128xf32>
    tpu.vector_store %arg2[%swap3A_174, %swap3A_175, %swap3A_176], %swap3A_179 {strides = array<i32>} : memref<3x8x1024xf32, #tpu.memory_space<vmem>>, vector<1x8x128xf32>,
    %scan3A_180 = arith.constant 0 : i32
    %scan3A_181 = arith.constant 128 : i32
    %scan3A_182 = arith.addi %scan3A_180, %scan3A_181 : i32
    %scan3A_183 = arith.constant 1 : i32
    %scan3A_184:6 = scf.for %scan3A_234 = %scan3A_180 to %scan3A_182 step %scan3A_183 iter_args(%scan3A_235 = %scan3A_157#0, %scan3A_236 = %scan3A_157#1, %scan3A_237 = %scan3A_157#2, %scan3A_238 = %scan3A_157#3, %scan3A_239 = %scan3A_157#4, %scan3A_240 = %scan3A_157#5) -> (vector<8x4096xf32>, vector<8x1xi32>, vector<8x128xi32>, vector<8x128xf32>, vector<8x128xf32>, vector<8x128xf32>)  : i32 {
      %eq3A = vector.broadcast %scan3A_234 : i32 to vector<8x128xi32>
      %eq3A_241 = arith.cmpi eq, %iota3A_14, %eq3A : vector<8x128xi32>
      %broadcast_in_dim3A_242 = vector.shape_cast %scan3A_236 : vector<8x1xi32> to vector<8x1xi32>
      %broadcast_in_dim3A_243 = vector.broadcast %broadcast_in_dim3A_242 : vector<8x1xi32> to vector<8x128xi32>
      %select_n3A = arith.select %eq3A_241, %broadcast_in_dim3A_243, %scan3A_237 : vector<8x128xi1>, vector<8x128xi32>
      %eq3A_244 = vector.broadcast %scan3A_236 : vector<8x1xi32> to vector<8x4096xi32>
      %eq3A_245 = arith.cmpi eq, %iota3A, %eq3A_244 : vector<8x4096xi32>
      %jit3A = arith.constant 0.000000e+00 : f32
      %broadcast_in_dim3A_246 = vector.broadcast %jit3A : f32 to vector<8x4096xf32>
      %select_n3A_247 = arith.select %eq3A_245, %get3A_3, %broadcast_in_dim3A_246 : vector<8x4096xi1>, vector<8x4096xf32>
      %reduce_sum3A = arith.constant dense<0.000000e+00> : vector<8xf32>
      %reduce_sum3A_248 = vector.multi_reduction <add>, %select_n3A_247, %reduce_sum3A [1] : vector<8x4096xf32> to vector<8xf32>
      %broadcast_in_dim3A_249 = vector.shape_cast %reduce_sum3A_248 : vector<8xf32> to vector<8x1xf32>
      %jit3A_250 = arith.constant 0.000000e+00 : f32
      %broadcast_in_dim3A_251 = vector.broadcast %jit3A_250 : f32 to vector<8x4096xf32>
      %select_n3A_252 = arith.select %eq3A_245, %get3A_8, %broadcast_in_dim3A_251 : vector<8x4096xi1>, vector<8x4096xf32>
      %reduce_sum3A_253 = arith.constant dense<0.000000e+00> : vector<8xf32>
      %reduce_sum3A_254 = vector.multi_reduction <add>, %select_n3A_252, %reduce_sum3A_253 [1] : vector<8x4096xf32> to vector<8xf32>
      %broadcast_in_dim3A_255 = vector.shape_cast %reduce_sum3A_254 : vector<8xf32> to vector<8x1xf32>
      %jit3A_256 = arith.constant 0.000000e+00 : f32
      %broadcast_in_dim3A_257 = vector.broadcast %jit3A_256 : f32 to vector<8x4096xf32>
      %select_n3A_258 = arith.select %eq3A_245, %get3A_13, %broadcast_in_dim3A_257 : vector<8x4096xi1>, vector<8x4096xf32>
      %reduce_sum3A_259 = arith.constant dense<0.000000e+00> : vector<8xf32>
      %reduce_sum3A_260 = vector.multi_reduction <add>, %select_n3A_258, %reduce_sum3A_259 [1] : vector<8x4096xf32> to vector<8xf32>
      %broadcast_in_dim3A_261 = vector.shape_cast %reduce_sum3A_260 : vector<8xf32> to vector<8x1xf32>
      %broadcast_in_dim3A_262 = vector.shape_cast %broadcast_in_dim3A_249 : vector<8x1xf32> to vector<8x1xf32>
      %broadcast_in_dim3A_263 = vector.broadcast %broadcast_in_dim3A_262 : vector<8x1xf32> to vector<8x128xf32>
      %select_n3A_264 = arith.select %eq3A_241, %broadcast_in_dim3A_263, %scan3A_238 : vector<8x128xi1>, vector<8x128xf32>
      %broadcast_in_dim3A_265 = vector.shape_cast %broadcast_in_dim3A_255 : vector<8x1xf32> to vector<8x1xf32>
      %broadcast_in_dim3A_266 = vector.broadcast %broadcast_in_dim3A_265 : vector<8x1xf32> to vector<8x128xf32>
      %select_n3A_267 = arith.select %eq3A_241, %broadcast_in_dim3A_266, %scan3A_239 : vector<8x128xi1>, vector<8x128xf32>
      %broadcast_in_dim3A_268 = vector.shape_cast %broadcast_in_dim3A_261 : vector<8x1xf32> to vector<8x1xf32>
      %broadcast_in_dim3A_269 = vector.broadcast %broadcast_in_dim3A_268 : vector<8x1xf32> to vector<8x128xf32>
      %select_n3A_270 = arith.select %eq3A_241, %broadcast_in_dim3A_269, %scan3A_240 : vector<8x128xi1>, vector<8x128xf32>
      %sub3A = vector.broadcast %broadcast_in_dim3A_249 : vector<8x1xf32> to vector<8x4096xf32>
      %sub3A_271 = arith.subf %get3A_3, %sub3A : vector<8x4096xf32>
      %sub3A_272 = vector.broadcast %broadcast_in_dim3A_255 : vector<8x1xf32> to vector<8x4096xf32>
      %sub3A_273 = arith.subf %get3A_8, %sub3A_272 : vector<8x4096xf32>
      %sub3A_274 = vector.broadcast %broadcast_in_dim3A_261 : vector<8x1xf32> to vector<8x4096xf32>
      %sub3A_275 = arith.subf %get3A_13, %sub3A_274 : vector<8x4096xf32>
      %mul3A_276 = arith.mulf %sub3A_271, %sub3A_271 : vector<8x4096xf32>
      %mul3A_277 = arith.mulf %sub3A_273, %sub3A_273 : vector<8x4096xf32>
      %add3A = arith.addf %mul3A_276, %mul3A_277 : vector<8x4096xf32>
      %mul3A_278 = arith.mulf %sub3A_275, %sub3A_275 : vector<8x4096xf32>
      %add3A_279 = arith.addf %add3A, %mul3A_278 : vector<8x4096xf32>
      %min3A = arith.minimumf %scan3A_235, %add3A_279 : vector<8x4096xf32>
      %reduce_max3A = arith.constant dense<0xFF800000> : vector<8xf32>
      %reduce_max3A_280 = vector.multi_reduction <maximumf>, %min3A, %reduce_max3A [1] : vector<8x4096xf32> to vector<8xf32>
      %broadcast_in_dim3A_281 = vector.shape_cast %reduce_max3A_280 : vector<8xf32> to vector<8x1xf32>
      %eq3A_282 = vector.broadcast %broadcast_in_dim3A_281 : vector<8x1xf32> to vector<8x4096xf32>
      %eq3A_283 = arith.cmpf oeq, %min3A, %eq3A_282 : vector<8x4096xf32>
      %jit3A_284 = arith.constant 4096 : i32
      %broadcast_in_dim3A_285 = vector.broadcast %jit3A_284 : i32 to vector<8x4096xi32>
      %select_n3A_286 = arith.select %eq3A_283, %iota3A, %broadcast_in_dim3A_285 : vector<8x4096xi1>, vector<8x4096xi32>
      %reduce_min3A = arith.constant dense<2147483647> : vector<8xi32>
      %reduce_min3A_287 = vector.multi_reduction <minsi>, %select_n3A_286, %reduce_min3A [1] : vector<8x4096xi32> to vector<8xi32>
      %broadcast_in_dim3A_288 = vector.shape_cast %reduce_min3A_287 : vector<8xi32> to vector<8x1xi32>
      scf.yield %min3A, %broadcast_in_dim3A_288, %select_n3A, %select_n3A_264, %select_n3A_267, %select_n3A_270 : vector<8x4096xf32>, vector<8x1xi32>, vector<8x128xi32>, vector<8x128xf32>, vector<8x128xf32>, vector<8x128xf32>
    }
    %scan3A_185 = arith.constant 128 : i32
    %swap3A_186 = arith.constant 0 : index
    %swap3A_187 = arith.constant 768 : index
    %swap3A_188 = vector.load %arg1[%swap3A_186, %swap3A_187] : memref<8x1024xi32, #tpu.memory_space<vmem>>, vector<8x128xi32>
    tpu.vector_store %arg1[%swap3A_186, %swap3A_187], %scan3A_184#2 {strides = array<i32>} : memref<8x1024xi32, #tpu.memory_space<vmem>>, vector<8x128xi32>,
    %swap3A_189 = arith.constant 0 : index
    %swap3A_190 = arith.constant 0 : index
    %swap3A_191 = arith.constant 768 : index
    %swap3A_192 = vector.load %arg2[%swap3A_189, %swap3A_190, %swap3A_191] : memref<3x8x1024xf32, #tpu.memory_space<vmem>>, vector<1x8x128xf32>
    %swap3A_193 = vector.shape_cast %swap3A_192 : vector<1x8x128xf32> to vector<8x128xf32>
    %swap3A_194 = vector.shape_cast %scan3A_184#3 : vector<8x128xf32> to vector<1x8x128xf32>
    tpu.vector_store %arg2[%swap3A_189, %swap3A_190, %swap3A_191], %swap3A_194 {strides = array<i32>} : memref<3x8x1024xf32, #tpu.memory_space<vmem>>, vector<1x8x128xf32>,
    %swap3A_195 = arith.constant 1 : index
    %swap3A_196 = arith.constant 0 : index
    %swap3A_197 = arith.constant 768 : index
    %swap3A_198 = vector.load %arg2[%swap3A_195, %swap3A_196, %swap3A_197] : memref<3x8x1024xf32, #tpu.memory_space<vmem>>, vector<1x8x128xf32>
    %swap3A_199 = vector.shape_cast %swap3A_198 : vector<1x8x128xf32> to vector<8x128xf32>
    %swap3A_200 = vector.shape_cast %scan3A_184#4 : vector<8x128xf32> to vector<1x8x128xf32>
    tpu.vector_store %arg2[%swap3A_195, %swap3A_196, %swap3A_197], %swap3A_200 {strides = array<i32>} : memref<3x8x1024xf32, #tpu.memory_space<vmem>>, vector<1x8x128xf32>,
    %swap3A_201 = arith.constant 2 : index
    %swap3A_202 = arith.constant 0 : index
    %swap3A_203 = arith.constant 768 : index
    %swap3A_204 = vector.load %arg2[%swap3A_201, %swap3A_202, %swap3A_203] : memref<3x8x1024xf32, #tpu.memory_space<vmem>>, vector<1x8x128xf32>
    %swap3A_205 = vector.shape_cast %swap3A_204 : vector<1x8x128xf32> to vector<8x128xf32>
    %swap3A_206 = vector.shape_cast %scan3A_184#5 : vector<8x128xf32> to vector<1x8x128xf32>
    tpu.vector_store %arg2[%swap3A_201, %swap3A_202, %swap3A_203], %swap3A_206 {strides = array<i32>} : memref<3x8x1024xf32, #tpu.memory_space<vmem>>, vector<1x8x128xf32>,
    %scan3A_207 = arith.constant 0 : i32
    %scan3A_208 = arith.constant 128 : i32
    %scan3A_209 = arith.addi %scan3A_207, %scan3A_208 : i32
    %scan3A_210 = arith.constant 1 : i32
    %scan3A_211:6 = scf.for %scan3A_234 = %scan3A_207 to %scan3A_209 step %scan3A_210 iter_args(%scan3A_235 = %scan3A_184#0, %scan3A_236 = %scan3A_184#1, %scan3A_237 = %scan3A_184#2, %scan3A_238 = %scan3A_184#3, %scan3A_239 = %scan3A_184#4, %scan3A_240 = %scan3A_184#5) -> (vector<8x4096xf32>, vector<8x1xi32>, vector<8x128xi32>, vector<8x128xf32>, vector<8x128xf32>, vector<8x128xf32>)  : i32 {
      %eq3A = vector.broadcast %scan3A_234 : i32 to vector<8x128xi32>
      %eq3A_241 = arith.cmpi eq, %iota3A_14, %eq3A : vector<8x128xi32>
      %broadcast_in_dim3A_242 = vector.shape_cast %scan3A_236 : vector<8x1xi32> to vector<8x1xi32>
      %broadcast_in_dim3A_243 = vector.broadcast %broadcast_in_dim3A_242 : vector<8x1xi32> to vector<8x128xi32>
      %select_n3A = arith.select %eq3A_241, %broadcast_in_dim3A_243, %scan3A_237 : vector<8x128xi1>, vector<8x128xi32>
      %eq3A_244 = vector.broadcast %scan3A_236 : vector<8x1xi32> to vector<8x4096xi32>
      %eq3A_245 = arith.cmpi eq, %iota3A, %eq3A_244 : vector<8x4096xi32>
      %jit3A = arith.constant 0.000000e+00 : f32
      %broadcast_in_dim3A_246 = vector.broadcast %jit3A : f32 to vector<8x4096xf32>
      %select_n3A_247 = arith.select %eq3A_245, %get3A_3, %broadcast_in_dim3A_246 : vector<8x4096xi1>, vector<8x4096xf32>
      %reduce_sum3A = arith.constant dense<0.000000e+00> : vector<8xf32>
      %reduce_sum3A_248 = vector.multi_reduction <add>, %select_n3A_247, %reduce_sum3A [1] : vector<8x4096xf32> to vector<8xf32>
      %broadcast_in_dim3A_249 = vector.shape_cast %reduce_sum3A_248 : vector<8xf32> to vector<8x1xf32>
      %jit3A_250 = arith.constant 0.000000e+00 : f32
      %broadcast_in_dim3A_251 = vector.broadcast %jit3A_250 : f32 to vector<8x4096xf32>
      %select_n3A_252 = arith.select %eq3A_245, %get3A_8, %broadcast_in_dim3A_251 : vector<8x4096xi1>, vector<8x4096xf32>
      %reduce_sum3A_253 = arith.constant dense<0.000000e+00> : vector<8xf32>
      %reduce_sum3A_254 = vector.multi_reduction <add>, %select_n3A_252, %reduce_sum3A_253 [1] : vector<8x4096xf32> to vector<8xf32>
      %broadcast_in_dim3A_255 = vector.shape_cast %reduce_sum3A_254 : vector<8xf32> to vector<8x1xf32>
      %jit3A_256 = arith.constant 0.000000e+00 : f32
      %broadcast_in_dim3A_257 = vector.broadcast %jit3A_256 : f32 to vector<8x4096xf32>
      %select_n3A_258 = arith.select %eq3A_245, %get3A_13, %broadcast_in_dim3A_257 : vector<8x4096xi1>, vector<8x4096xf32>
      %reduce_sum3A_259 = arith.constant dense<0.000000e+00> : vector<8xf32>
      %reduce_sum3A_260 = vector.multi_reduction <add>, %select_n3A_258, %reduce_sum3A_259 [1] : vector<8x4096xf32> to vector<8xf32>
      %broadcast_in_dim3A_261 = vector.shape_cast %reduce_sum3A_260 : vector<8xf32> to vector<8x1xf32>
      %broadcast_in_dim3A_262 = vector.shape_cast %broadcast_in_dim3A_249 : vector<8x1xf32> to vector<8x1xf32>
      %broadcast_in_dim3A_263 = vector.broadcast %broadcast_in_dim3A_262 : vector<8x1xf32> to vector<8x128xf32>
      %select_n3A_264 = arith.select %eq3A_241, %broadcast_in_dim3A_263, %scan3A_238 : vector<8x128xi1>, vector<8x128xf32>
      %broadcast_in_dim3A_265 = vector.shape_cast %broadcast_in_dim3A_255 : vector<8x1xf32> to vector<8x1xf32>
      %broadcast_in_dim3A_266 = vector.broadcast %broadcast_in_dim3A_265 : vector<8x1xf32> to vector<8x128xf32>
      %select_n3A_267 = arith.select %eq3A_241, %broadcast_in_dim3A_266, %scan3A_239 : vector<8x128xi1>, vector<8x128xf32>
      %broadcast_in_dim3A_268 = vector.shape_cast %broadcast_in_dim3A_261 : vector<8x1xf32> to vector<8x1xf32>
      %broadcast_in_dim3A_269 = vector.broadcast %broadcast_in_dim3A_268 : vector<8x1xf32> to vector<8x128xf32>
      %select_n3A_270 = arith.select %eq3A_241, %broadcast_in_dim3A_269, %scan3A_240 : vector<8x128xi1>, vector<8x128xf32>
      %sub3A = vector.broadcast %broadcast_in_dim3A_249 : vector<8x1xf32> to vector<8x4096xf32>
      %sub3A_271 = arith.subf %get3A_3, %sub3A : vector<8x4096xf32>
      %sub3A_272 = vector.broadcast %broadcast_in_dim3A_255 : vector<8x1xf32> to vector<8x4096xf32>
      %sub3A_273 = arith.subf %get3A_8, %sub3A_272 : vector<8x4096xf32>
      %sub3A_274 = vector.broadcast %broadcast_in_dim3A_261 : vector<8x1xf32> to vector<8x4096xf32>
      %sub3A_275 = arith.subf %get3A_13, %sub3A_274 : vector<8x4096xf32>
      %mul3A_276 = arith.mulf %sub3A_271, %sub3A_271 : vector<8x4096xf32>
      %mul3A_277 = arith.mulf %sub3A_273, %sub3A_273 : vector<8x4096xf32>
      %add3A = arith.addf %mul3A_276, %mul3A_277 : vector<8x4096xf32>
      %mul3A_278 = arith.mulf %sub3A_275, %sub3A_275 : vector<8x4096xf32>
      %add3A_279 = arith.addf %add3A, %mul3A_278 : vector<8x4096xf32>
      %min3A = arith.minimumf %scan3A_235, %add3A_279 : vector<8x4096xf32>
      %reduce_max3A = arith.constant dense<0xFF800000> : vector<8xf32>
      %reduce_max3A_280 = vector.multi_reduction <maximumf>, %min3A, %reduce_max3A [1] : vector<8x4096xf32> to vector<8xf32>
      %broadcast_in_dim3A_281 = vector.shape_cast %reduce_max3A_280 : vector<8xf32> to vector<8x1xf32>
      %eq3A_282 = vector.broadcast %broadcast_in_dim3A_281 : vector<8x1xf32> to vector<8x4096xf32>
      %eq3A_283 = arith.cmpf oeq, %min3A, %eq3A_282 : vector<8x4096xf32>
      %jit3A_284 = arith.constant 4096 : i32
      %broadcast_in_dim3A_285 = vector.broadcast %jit3A_284 : i32 to vector<8x4096xi32>
      %select_n3A_286 = arith.select %eq3A_283, %iota3A, %broadcast_in_dim3A_285 : vector<8x4096xi1>, vector<8x4096xi32>
      %reduce_min3A = arith.constant dense<2147483647> : vector<8xi32>
      %reduce_min3A_287 = vector.multi_reduction <minsi>, %select_n3A_286, %reduce_min3A [1] : vector<8x4096xi32> to vector<8xi32>
      %broadcast_in_dim3A_288 = vector.shape_cast %reduce_min3A_287 : vector<8xi32> to vector<8x1xi32>
      scf.yield %min3A, %broadcast_in_dim3A_288, %select_n3A, %select_n3A_264, %select_n3A_267, %select_n3A_270 : vector<8x4096xf32>, vector<8x1xi32>, vector<8x128xi32>, vector<8x128xf32>, vector<8x128xf32>, vector<8x128xf32>
    }
    %scan3A_212 = arith.constant 128 : i32
    %swap3A_213 = arith.constant 0 : index
    %swap3A_214 = arith.constant 896 : index
    %swap3A_215 = vector.load %arg1[%swap3A_213, %swap3A_214] : memref<8x1024xi32, #tpu.memory_space<vmem>>, vector<8x128xi32>
    tpu.vector_store %arg1[%swap3A_213, %swap3A_214], %scan3A_211#2 {strides = array<i32>} : memref<8x1024xi32, #tpu.memory_space<vmem>>, vector<8x128xi32>,
    %swap3A_216 = arith.constant 0 : index
    %swap3A_217 = arith.constant 0 : index
    %swap3A_218 = arith.constant 896 : index
    %swap3A_219 = vector.load %arg2[%swap3A_216, %swap3A_217, %swap3A_218] : memref<3x8x1024xf32, #tpu.memory_space<vmem>>, vector<1x8x128xf32>
    %swap3A_220 = vector.shape_cast %swap3A_219 : vector<1x8x128xf32> to vector<8x128xf32>
    %swap3A_221 = vector.shape_cast %scan3A_211#3 : vector<8x128xf32> to vector<1x8x128xf32>
    tpu.vector_store %arg2[%swap3A_216, %swap3A_217, %swap3A_218], %swap3A_221 {strides = array<i32>} : memref<3x8x1024xf32, #tpu.memory_space<vmem>>, vector<1x8x128xf32>,
    %swap3A_222 = arith.constant 1 : index
    %swap3A_223 = arith.constant 0 : index
    %swap3A_224 = arith.constant 896 : index
    %swap3A_225 = vector.load %arg2[%swap3A_222, %swap3A_223, %swap3A_224] : memref<3x8x1024xf32, #tpu.memory_space<vmem>>, vector<1x8x128xf32>
    %swap3A_226 = vector.shape_cast %swap3A_225 : vector<1x8x128xf32> to vector<8x128xf32>
    %swap3A_227 = vector.shape_cast %scan3A_211#4 : vector<8x128xf32> to vector<1x8x128xf32>
    tpu.vector_store %arg2[%swap3A_222, %swap3A_223, %swap3A_224], %swap3A_227 {strides = array<i32>} : memref<3x8x1024xf32, #tpu.memory_space<vmem>>, vector<1x8x128xf32>,
    %swap3A_228 = arith.constant 2 : index
    %swap3A_229 = arith.constant 0 : index
    %swap3A_230 = arith.constant 896 : index
    %swap3A_231 = vector.load %arg2[%swap3A_228, %swap3A_229, %swap3A_230] : memref<3x8x1024xf32, #tpu.memory_space<vmem>>, vector<1x8x128xf32>
    %swap3A_232 = vector.shape_cast %swap3A_231 : vector<1x8x128xf32> to vector<8x128xf32>
    %swap3A_233 = vector.shape_cast %scan3A_211#5 : vector<8x128xf32> to vector<1x8x128xf32>
    tpu.vector_store %arg2[%swap3A_228, %swap3A_229, %swap3A_230], %swap3A_233 {strides = array<i32>} : memref<3x8x1024xf32, #tpu.memory_space<vmem>>, vector<1x8x128xf32>,
    return
  }
}

module attributes {stable_mosaic.version = 14 : i64} {
  func.func @_ballq_body(%arg0: i32, %arg1: i32, %arg2: memref<1x256x3xf32, #tpu.memory_space<vmem>>, %arg3: memref<1x4096x3xf32, #tpu.memory_space<vmem>>, %arg4: memref<1x256x1xf32, #tpu.memory_space<vmem>>, %arg5: memref<1x1x4096xf32, #tpu.memory_space<vmem>>, %arg6: memref<1x256x32xi32, #tpu.memory_space<vmem>>, %arg7: memref<256x4096xf32, #tpu.memory_space<vmem>>) attributes {dimension_semantics = [#tpu.dimension_semantics<arbitrary>, #tpu.dimension_semantics<arbitrary>], iteration_bounds = array<i64: 8, 4>, scalar_prefetch = 0 : i64, scratch_operands = 1 : i64, tpu.core_type = #tpu.core_type<tc>, window_params = [{transform_indices = @transform_0, window_bounds = array<i64: 1, 256, 3>}, {transform_indices = @transform_1, window_bounds = array<i64: 1, 4096, 3>}, {transform_indices = @transform_2, window_bounds = array<i64: 1, 256, 1>}, {transform_indices = @transform_3, window_bounds = array<i64: 1, 1, 4096>}, {transform_indices = @transform_4, window_bounds = array<i64: 1, 256, 32>}]} {
    %get3A = arith.constant 0 : index
    %get3A_0 = arith.constant 0 : index
    %get3A_1 = arith.constant 0 : index
    %get3A_2 = vector.load %arg2[%get3A, %get3A_0, %get3A_1] : memref<1x256x3xf32, #tpu.memory_space<vmem>>, vector<1x256x3xf32>
    %get3A_3 = vector.shape_cast %get3A_2 : vector<1x256x3xf32> to vector<256x3xf32>
    %get3A_4 = arith.constant 0 : index
    %get3A_5 = arith.constant 0 : index
    %get3A_6 = arith.constant 0 : index
    %get3A_7 = vector.load %arg3[%get3A_4, %get3A_5, %get3A_6] : memref<1x4096x3xf32, #tpu.memory_space<vmem>>, vector<1x4096x3xf32>
    %get3A_8 = vector.shape_cast %get3A_7 : vector<1x4096x3xf32> to vector<4096x3xf32>
    %get3A_9 = arith.constant 0 : index
    %get3A_10 = arith.constant 0 : index
    %get3A_11 = arith.constant 0 : index
    %get3A_12 = vector.load %arg4[%get3A_9, %get3A_10, %get3A_11] : memref<1x256x1xf32, #tpu.memory_space<vmem>>, vector<1x256x1xf32>
    %get3A_13 = vector.shape_cast %get3A_12 : vector<1x256x1xf32> to vector<256x1xf32>
    %get3A_14 = arith.constant 0 : index
    %get3A_15 = arith.constant 0 : index
    %get3A_16 = arith.constant 0 : index
    %get3A_17 = vector.load %arg5[%get3A_14, %get3A_15, %get3A_16] : memref<1x1x4096xf32, #tpu.memory_space<vmem>>, vector<1x1x4096xf32>
    %get3A_18 = vector.shape_cast %get3A_17 : vector<1x1x4096xf32> to vector<1x4096xf32>
    %dot_general3A = arith.constant dense<0.000000e+00> : vector<256x4096xf32>
    %dot_general3A_19 = tpu.matmul %get3A_3, %get3A_8, %dot_general3A {dimension_numbers = #tpu.dot_dimension_numbers<[1], [1], [0], [0], [0, 0, 1, 0], [], []>, transpose_lhs_hint = false} : vector<256x3xf32>, vector<4096x3xf32>, vector<256x4096xf32> -> vector<256x4096xf32>
    %add3A = vector.broadcast %get3A_13 : vector<256x1xf32> to vector<256x4096xf32>
    %add3A_20 = vector.broadcast %get3A_18 : vector<1x4096xf32> to vector<256x4096xf32>
    %add3A_21 = arith.addf %add3A, %add3A_20 : vector<256x4096xf32>
    %mul3A = arith.constant 2.000000e+00 : f32
    %mul3A_22 = vector.broadcast %mul3A : f32 to vector<256x4096xf32>
    %mul3A_23 = arith.mulf %mul3A_22, %dot_general3A_19 : vector<256x4096xf32>
    %sub3A = arith.subf %add3A_21, %mul3A_23 : vector<256x4096xf32>
    %iota3A = tpu.iota {dimensions = array<i32: 1>} : vector<256x4096xi32>
    %convert_element_type3A = arith.sitofp %iota3A : vector<256x4096xi32> to vector<256x4096xf32>
    %lt3A = arith.constant 4.000000e-02 : f32
    %lt3A_24 = vector.broadcast %lt3A : f32 to vector<256x4096xf32>
    %lt3A_25 = arith.cmpf olt, %sub3A, %lt3A_24 : vector<256x4096xf32>
    %jit3A = arith.constant 4.096000e+03 : f32
    %broadcast_in_dim3A = vector.broadcast %jit3A : f32 to vector<256x4096xf32>
    %select_n3A = arith.select %lt3A_25, %convert_element_type3A, %broadcast_in_dim3A : vector<256x4096xi1>, vector<256x4096xf32>
    %swap3A = arith.constant 0 : index
    %swap3A_26 = arith.constant 0 : index
    %swap3A_27 = vector.load %arg7[%swap3A, %swap3A_26] : memref<256x4096xf32, #tpu.memory_space<vmem>>, vector<256x4096xf32>
    tpu.vector_store %arg7[%swap3A, %swap3A_26], %select_n3A {strides = array<i32>} : memref<256x4096xf32, #tpu.memory_space<vmem>>, vector<256x4096xf32>,
    %iota3A_28 = tpu.iota {dimensions = array<i32: 1>} : vector<256x32xi32>
    %mul3A_29 = arith.constant 0.000000e+00 : f32
    %mul3A_30 = vector.broadcast %mul3A_29 : f32 to vector<256x1xf32>
    %mul3A_31 = arith.mulf %get3A_13, %mul3A_30 : vector<256x1xf32>
    %sub3A_32 = arith.constant 1.000000e+00 : f32
    %sub3A_33 = vector.broadcast %sub3A_32 : f32 to vector<256x1xf32>
    %sub3A_34 = arith.subf %mul3A_31, %sub3A_33 : vector<256x1xf32>
    %broadcast_in_dim3A_35 = vector.shape_cast %get3A_13 : vector<256x1xf32> to vector<256x1xf32>
    %broadcast_in_dim3A_36 = vector.broadcast %broadcast_in_dim3A_35 : vector<256x1xf32> to vector<256x32xf32>
    %convert_element_type3A_37 = arith.sitofp %iota3A_28 : vector<256x32xi32> to vector<256x32xf32>
    %add3A_38 = arith.addf %broadcast_in_dim3A_36, %convert_element_type3A_37 : vector<256x32xf32>
    %scan3A = arith.constant 0 : i32
    %scan3A_39 = arith.constant 32 : i32
    %scan3A_40 = arith.addi %scan3A, %scan3A_39 : i32
    %scan3A_41 = arith.constant 1 : i32
    %scan3A_42:2 = scf.for %scan3A_62 = %scan3A to %scan3A_40 step %scan3A_41 iter_args(%scan3A_63 = %sub3A_34, %scan3A_64 = %add3A_38) -> (vector<256x1xf32>, vector<256x32xf32>)  : i32 {
      %get3A_65 = arith.constant 0 : index
      %get3A_66 = arith.constant 0 : index
      %get3A_67 = vector.load %arg7[%get3A_65, %get3A_66] : memref<256x4096xf32, #tpu.memory_space<vmem>>, vector<256x4096xf32>
      %eq3A_68 = vector.broadcast %scan3A_63 : vector<256x1xf32> to vector<256x4096xf32>
      %eq3A_69 = arith.cmpf oeq, %get3A_67, %eq3A_68 : vector<256x4096xf32>
      %jit3A_70 = arith.constant 4.096000e+03 : f32
      %broadcast_in_dim3A_71 = vector.broadcast %jit3A_70 : f32 to vector<256x4096xf32>
      %select_n3A_72 = arith.select %eq3A_69, %broadcast_in_dim3A_71, %get3A_67 : vector<256x4096xi1>, vector<256x4096xf32>
      %swap3A_73 = arith.constant 0 : index
      %swap3A_74 = arith.constant 0 : index
      %swap3A_75 = vector.load %arg7[%swap3A_73, %swap3A_74] : memref<256x4096xf32, #tpu.memory_space<vmem>>, vector<256x4096xf32>
      tpu.vector_store %arg7[%swap3A_73, %swap3A_74], %select_n3A_72 {strides = array<i32>} : memref<256x4096xf32, #tpu.memory_space<vmem>>, vector<256x4096xf32>,
      %reduce_min3A = arith.constant dense<0x7F800000> : vector<256xf32>
      %reduce_min3A_76 = vector.multi_reduction <minimumf>, %select_n3A_72, %reduce_min3A [1] : vector<256x4096xf32> to vector<256xf32>
      %broadcast_in_dim3A_77 = vector.shape_cast %reduce_min3A_76 : vector<256xf32> to vector<256x1xf32>
      %eq3A_78 = vector.broadcast %scan3A_62 : i32 to vector<256x32xi32>
      %eq3A_79 = arith.cmpi eq, %iota3A_28, %eq3A_78 : vector<256x32xi32>
      %broadcast_in_dim3A_80 = vector.shape_cast %broadcast_in_dim3A_77 : vector<256x1xf32> to vector<256x1xf32>
      %broadcast_in_dim3A_81 = vector.broadcast %broadcast_in_dim3A_80 : vector<256x1xf32> to vector<256x32xf32>
      %select_n3A_82 = arith.select %eq3A_79, %broadcast_in_dim3A_81, %scan3A_64 : vector<256x32xi1>, vector<256x32xf32>
      scf.yield %broadcast_in_dim3A_77, %select_n3A_82 : vector<256x1xf32>, vector<256x32xf32>
    }
    %scan3A_43 = arith.constant 32 : i32
    %slice3A = vector.extract_strided_slice %scan3A_42#1 {offsets = [0, 0], sizes = [256, 1], strides = [1, 1]} : vector<256x32xf32> to vector<256x1xf32>
    %eq3A = arith.constant 4.096000e+03 : f32
    %eq3A_44 = vector.broadcast %eq3A : f32 to vector<256x1xf32>
    %eq3A_45 = arith.cmpf oeq, %slice3A, %eq3A_44 : vector<256x1xf32>
    %jit3A_46 = arith.constant 0.000000e+00 : f32
    %broadcast_in_dim3A_47 = vector.broadcast %jit3A_46 : f32 to vector<256x1xf32>
    %select_n3A_48 = arith.select %eq3A_45, %broadcast_in_dim3A_47, %slice3A : vector<256x1xi1>, vector<256x1xf32>
    %eq3A_49 = arith.constant 4.096000e+03 : f32
    %eq3A_50 = vector.broadcast %eq3A_49 : f32 to vector<256x32xf32>
    %eq3A_51 = arith.cmpf oeq, %scan3A_42#1, %eq3A_50 : vector<256x32xf32>
    %broadcast_in_dim3A_52 = vector.shape_cast %select_n3A_48 : vector<256x1xf32> to vector<256x1xf32>
    %broadcast_in_dim3A_53 = vector.broadcast %broadcast_in_dim3A_52 : vector<256x1xf32> to vector<256x32xf32>
    %select_n3A_54 = arith.select %eq3A_51, %broadcast_in_dim3A_53, %scan3A_42#1 : vector<256x32xi1>, vector<256x32xf32>
    %convert_element_type3A_55 = arith.fptosi %select_n3A_54 : vector<256x32xf32> to vector<256x32xi32>
    %swap3A_56 = arith.constant 0 : index
    %swap3A_57 = arith.constant 0 : index
    %swap3A_58 = arith.constant 0 : index
    %swap3A_59 = vector.load %arg6[%swap3A_56, %swap3A_57, %swap3A_58] : memref<1x256x32xi32, #tpu.memory_space<vmem>>, vector<1x256x32xi32>
    %swap3A_60 = vector.shape_cast %swap3A_59 : vector<1x256x32xi32> to vector<256x32xi32>
    %swap3A_61 = vector.shape_cast %convert_element_type3A_55 : vector<256x32xi32> to vector<1x256x32xi32>
    tpu.vector_store %arg6[%swap3A_56, %swap3A_57, %swap3A_58], %swap3A_61 {strides = array<i32>} : memref<1x256x32xi32, #tpu.memory_space<vmem>>, vector<1x256x32xi32>,
    return
  }
  func.func @transform_0(%arg0: i32, %arg1: i32) -> (i32, i32, i32) {
    %c0_i32 = arith.constant 0 : i32
    %c0_i32_0 = arith.constant 0 : i32
    return %arg0, %arg1, %c0_i32 : i32, i32, i32
  }
  func.func @transform_1(%arg0: i32, %arg1: i32) -> (i32, i32, i32) {
    %c0_i32 = arith.constant 0 : i32
    %c0_i32_0 = arith.constant 0 : i32
    %c0_i32_1 = arith.constant 0 : i32
    return %arg0, %c0_i32, %c0_i32_0 : i32, i32, i32
  }
  func.func @transform_2(%arg0: i32, %arg1: i32) -> (i32, i32, i32) {
    %c0_i32 = arith.constant 0 : i32
    %c0_i32_0 = arith.constant 0 : i32
    return %arg0, %arg1, %c0_i32 : i32, i32, i32
  }
  func.func @transform_3(%arg0: i32, %arg1: i32) -> (i32, i32, i32) {
    %c0_i32 = arith.constant 0 : i32
    %c0_i32_0 = arith.constant 0 : i32
    %c0_i32_1 = arith.constant 0 : i32
    return %arg0, %c0_i32, %c0_i32_0 : i32, i32, i32
  }
  func.func @transform_4(%arg0: i32, %arg1: i32) -> (i32, i32, i32) {
    %c0_i32 = arith.constant 0 : i32
    %c0_i32_0 = arith.constant 0 : i32
    return %arg0, %arg1, %c0_i32 : i32, i32, i32
  }
}

module attributes {stable_mosaic.version = 14 : i64} {
  func.func @_std_body(%arg0: memref<8x1024x128xf32, #tpu.memory_space<vmem>>, %arg1: memref<8x64xf32, #tpu.memory_space<vmem>>, %arg2: memref<8x1x128xf32, #tpu.memory_space<vmem>>) attributes {dimension_semantics = [], scalar_prefetch = 0 : i64, scratch_operands = 0 : i64, tpu.core_type = #tpu.core_type<tc>} {
    %get3A = arith.constant 0 : index
    %get3A_0 = arith.constant 0 : index
    %get3A_1 = arith.constant 0 : index
    %get3A_2 = vector.load %arg0[%get3A, %get3A_0, %get3A_1] : memref<8x1024x128xf32, #tpu.memory_space<vmem>>, vector<8x1024x128xf32>
    %get3A_3 = arith.constant 0 : index
    %get3A_4 = arith.constant 0 : index
    %get3A_5 = vector.load %arg1[%get3A_3, %get3A_4] : memref<8x64xf32, #tpu.memory_space<vmem>>, vector<8x64xf32>
    %reduce_sum3A = arith.constant dense<0.000000e+00> : vector<8xf32>
    %reduce_sum3A_6 = vector.multi_reduction <add>, %get3A_5, %reduce_sum3A [1] : vector<8x64xf32> to vector<8xf32>
    %broadcast_in_dim3A = vector.shape_cast %reduce_sum3A_6 : vector<8xf32> to vector<8x1xf32>
    %mul3A = arith.mulf %get3A_2, %get3A_2 : vector<8x1024x128xf32>
    %reduce_sum3A_7 = arith.constant dense<0.000000e+00> : vector<8x1024xf32>
    %reduce_sum3A_8 = vector.multi_reduction <add>, %mul3A, %reduce_sum3A_7 [2] : vector<8x1024x128xf32> to vector<8x1024xf32>
    %reduce_sum3A_9 = arith.constant dense<0.000000e+00> : vector<8xf32>
    %reduce_sum3A_10 = vector.multi_reduction <add>, %reduce_sum3A_8, %reduce_sum3A_9 [1] : vector<8x1024xf32> to vector<8xf32>
    %broadcast_in_dim3A_11 = vector.shape_cast %reduce_sum3A_10 : vector<8xf32> to vector<8x1xf32>
    %mul3A_12 = arith.constant 3.125000e-02 : f32
    %mul3A_13 = vector.broadcast %mul3A_12 : f32 to vector<8x1xf32>
    %mul3A_14 = arith.mulf %broadcast_in_dim3A_11, %mul3A_13 : vector<8x1xf32>
    %sub3A = arith.subf %broadcast_in_dim3A, %mul3A_14 : vector<8x1xf32>
    %mul3A_15 = arith.constant 2.38418636E-7 : f32
    %mul3A_16 = vector.broadcast %mul3A_15 : f32 to vector<8x1xf32>
    %mul3A_17 = arith.mulf %sub3A, %mul3A_16 : vector<8x1xf32>
    %sqrt3A = math.sqrt %mul3A_17 : vector<8x1xf32>
    %add3A = arith.constant 9.99999974E-6 : f32
    %add3A_18 = vector.broadcast %add3A : f32 to vector<8x1xf32>
    %add3A_19 = arith.addf %sqrt3A, %add3A_18 : vector<8x1xf32>
    %broadcast_in_dim3A_20 = vector.shape_cast %add3A_19 : vector<8x1xf32> to vector<8x1x1xf32>
    %broadcast_in_dim3A_21 = vector.shape_cast %broadcast_in_dim3A_20 : vector<8x1x1xf32> to vector<8x1x1xf32>
    %broadcast_in_dim3A_22 = vector.broadcast %broadcast_in_dim3A_21 : vector<8x1x1xf32> to vector<8x1x128xf32>
    %swap3A = arith.constant 0 : index
    %swap3A_23 = arith.constant 0 : index
    %swap3A_24 = arith.constant 0 : index
    %swap3A_25 = vector.load %arg2[%swap3A, %swap3A_23, %swap3A_24] : memref<8x1x128xf32, #tpu.memory_space<vmem>>, vector<8x1x128xf32>
    tpu.vector_store %arg2[%swap3A, %swap3A_23, %swap3A_24], %broadcast_in_dim3A_22 {strides = array<i32>} : memref<8x1x128xf32, #tpu.memory_space<vmem>>, vector<8x1x128xf32>,
    return
  }
}

module attributes {stable_mosaic.version = 14 : i64} {
  func.func @_fin_body(%arg0: i32, %arg1: memref<2048x128xf32, #tpu.memory_space<vmem>>, %arg2: memref<64x128xf32, #tpu.memory_space<vmem>>, %arg3: memref<64x128xf32, #tpu.memory_space<vmem>>, %arg4: memref<1x1x128xf32, #tpu.memory_space<vmem>>, %arg5: memref<1x128xf32, #tpu.memory_space<vmem>>, %arg6: memref<1x128xf32, #tpu.memory_space<vmem>>, %arg7: memref<2048x256xf32, #tpu.memory_space<vmem>>) attributes {dimension_semantics = [#tpu.dimension_semantics<arbitrary>], iteration_bounds = array<i64: 128>, scalar_prefetch = 0 : i64, scratch_operands = 0 : i64, tpu.core_type = #tpu.core_type<tc>, window_params = [{transform_indices = @transform_0, window_bounds = array<i64: 2048, 128>}, {transform_indices = @transform_1, window_bounds = array<i64: 64, 128>}, {transform_indices = @transform_2, window_bounds = array<i64: 64, 128>}, {transform_indices = @transform_3, window_bounds = array<i64: 1, 1, 128>}, {pipeline_mode = #tpu.pipeline_mode<synchronous>, transform_indices = @transform_4, window_bounds = array<i64: 1, 128>}, {pipeline_mode = #tpu.pipeline_mode<synchronous>, transform_indices = @transform_5, window_bounds = array<i64: 1, 128>}, {transform_indices = @transform_6, window_bounds = array<i64: 2048, 256>}]} {
    %get3A = arith.constant 0 : index
    %get3A_0 = arith.constant 0 : index
    %get3A_1 = vector.load %arg1[%get3A, %get3A_0] : memref<2048x128xf32, #tpu.memory_space<vmem>>, vector<2048x128xf32>
    %reshape3A = vector.shape_cast %get3A_1 : vector<2048x128xf32> to vector<64x32x128xf32>
    %get3A_2 = arith.constant 0 : index
    %get3A_3 = arith.constant 0 : index
    %get3A_4 = vector.load %arg2[%get3A_2, %get3A_3] : memref<64x128xf32, #tpu.memory_space<vmem>>, vector<64x128xf32>
    %mul3A = arith.constant 3.125000e-02 : f32
    %mul3A_5 = vector.broadcast %mul3A : f32 to vector<64x128xf32>
    %mul3A_6 = arith.mulf %get3A_4, %mul3A_5 : vector<64x128xf32>
    %broadcast_in_dim3A = vector.shape_cast %mul3A_6 : vector<64x128xf32> to vector<64x1x128xf32>
    %sub3A = vector.broadcast %broadcast_in_dim3A : vector<64x1x128xf32> to vector<64x32x128xf32>
    %sub3A_7 = arith.subf %reshape3A, %sub3A : vector<64x32x128xf32>
    %get3A_8 = arith.constant 0 : index
    %get3A_9 = arith.constant 0 : index
    %get3A_10 = arith.constant 0 : index
    %get3A_11 = vector.load %arg4[%get3A_8, %get3A_9, %get3A_10] : memref<1x1x128xf32, #tpu.memory_space<vmem>>, vector<1x1x1xf32>
    %get3A_12 = vector.extract %get3A_11[0, 0, 0] : f32 from vector<1x1x1xf32>
    %get3A_13 = arith.constant 0 : index
    %get3A_14 = arith.constant 0 : index
    %get3A_15 = vector.load %arg5[%get3A_13, %get3A_14] : memref<1x128xf32, #tpu.memory_space<vmem>>, vector<1x128xf32>
    %get3A_16 = vector.shape_cast %get3A_15 : vector<1x128xf32> to vector<128xf32>
    %get3A_17 = arith.constant 0 : index
    %get3A_18 = arith.constant 0 : index
    %get3A_19 = vector.load %arg6[%get3A_17, %get3A_18] : memref<1x128xf32, #tpu.memory_space<vmem>>, vector<1x128xf32>
    %get3A_20 = vector.shape_cast %get3A_19 : vector<1x128xf32> to vector<128xf32>
    %div3A = vector.broadcast %get3A_12 : f32 to vector<64x32x128xf32>
    %div3A_21 = arith.divf %sub3A_7, %div3A : vector<64x32x128xf32>
    %broadcast_in_dim3A_22 = vector.shape_cast %get3A_16 : vector<128xf32> to vector<1x1x128xf32>
    %mul3A_23 = vector.broadcast %broadcast_in_dim3A_22 : vector<1x1x128xf32> to vector<64x32x128xf32>
    %mul3A_24 = arith.mulf %div3A_21, %mul3A_23 : vector<64x32x128xf32>
    %broadcast_in_dim3A_25 = vector.shape_cast %get3A_20 : vector<128xf32> to vector<1x1x128xf32>
    %add3A = vector.broadcast %broadcast_in_dim3A_25 : vector<1x1x128xf32> to vector<64x32x128xf32>
    %add3A_26 = arith.addf %mul3A_24, %add3A : vector<64x32x128xf32>
    %reshape3A_27 = vector.shape_cast %add3A_26 : vector<64x32x128xf32> to vector<2048x128xf32>
    %swap3A = arith.constant 0 : index
    %swap3A_28 = arith.constant 0 : index
    %swap3A_29 = vector.load %arg7[%swap3A, %swap3A_28] : memref<2048x256xf32, #tpu.memory_space<vmem>>, vector<2048x128xf32>
    tpu.vector_store %arg7[%swap3A, %swap3A_28], %reshape3A_27 {strides = array<i32>} : memref<2048x256xf32, #tpu.memory_space<vmem>>, vector<2048x128xf32>,
    %get3A_30 = arith.constant 0 : index
    %get3A_31 = arith.constant 0 : index
    %get3A_32 = vector.load %arg3[%get3A_30, %get3A_31] : memref<64x128xf32, #tpu.memory_space<vmem>>, vector<64x128xf32>
    %broadcast_in_dim3A_33 = vector.shape_cast %get3A_32 : vector<64x128xf32> to vector<64x1x128xf32>
    %broadcast_in_dim3A_34 = vector.shape_cast %broadcast_in_dim3A_33 : vector<64x1x128xf32> to vector<64x1x128xf32>
    %broadcast_in_dim3A_35 = vector.broadcast %broadcast_in_dim3A_34 : vector<64x1x128xf32> to vector<64x32x128xf32>
    %reshape3A_36 = vector.shape_cast %broadcast_in_dim3A_35 : vector<64x32x128xf32> to vector<2048x128xf32>
    %swap3A_37 = arith.constant 0 : index
    %swap3A_38 = arith.constant 128 : index
    %swap3A_39 = vector.load %arg7[%swap3A_37, %swap3A_38] : memref<2048x256xf32, #tpu.memory_space<vmem>>, vector<2048x128xf32>
    tpu.vector_store %arg7[%swap3A_37, %swap3A_38], %reshape3A_36 {strides = array<i32>} : memref<2048x256xf32, #tpu.memory_space<vmem>>, vector<2048x128xf32>,
    return
  }
  func.func @transform_0(%arg0: i32) -> (i32, i32) {
    %c0_i32 = arith.constant 0 : i32
    %c0_i32_0 = arith.constant 0 : i32
    return %arg0, %c0_i32 : i32, i32
  }
  func.func @transform_1(%arg0: i32) -> (i32, i32) {
    %c0_i32 = arith.constant 0 : i32
    %c0_i32_0 = arith.constant 0 : i32
    return %arg0, %c0_i32 : i32, i32
  }
  func.func @transform_2(%arg0: i32) -> (i32, i32) {
    %c0_i32 = arith.constant 0 : i32
    %c0_i32_0 = arith.constant 0 : i32
    return %arg0, %c0_i32 : i32, i32
  }
  func.func @transform_3(%arg0: i32) -> (i32, i32, i32) {
    %jit3A = arith.constant 16 : i32
    %div3A = arith.divsi %arg0, %jit3A : i32
    %sign3A = arith.constant 0 : i32
    %sign3A_0 = arith.cmpi sgt, %arg0, %sign3A : i32
    %sign3A_1 = arith.extui %sign3A_0 : i1 to i32
    %sign3A_2 = arith.constant 0 : i32
    %sign3A_3 = arith.cmpi slt, %arg0, %sign3A_2 : i32
    %sign3A_4 = arith.extui %sign3A_3 : i1 to i32
    %sign3A_5 = arith.subi %sign3A_1, %sign3A_4 : i32
    %sign3A_6 = arith.constant 0 : i32
    %sign3A_7 = arith.cmpi sgt, %jit3A, %sign3A_6 : i32
    %sign3A_8 = arith.extui %sign3A_7 : i1 to i32
    %sign3A_9 = arith.constant 0 : i32
    %sign3A_10 = arith.cmpi slt, %jit3A, %sign3A_9 : i32
    %sign3A_11 = arith.extui %sign3A_10 : i1 to i32
    %sign3A_12 = arith.subi %sign3A_8, %sign3A_11 : i32
    %ne3A = arith.cmpi ne, %sign3A_5, %sign3A_12 : i32
    %rem3A = arith.remsi %arg0, %jit3A : i32
    %ne3A_13 = arith.constant 0 : i32
    %ne3A_14 = arith.cmpi ne, %rem3A, %ne3A_13 : i32
    %and3A = arith.andi %ne3A, %ne3A_14 : i1
    %sub3A = arith.constant 1 : i32
    %sub3A_15 = arith.subi %div3A, %sub3A : i32
    %select_n3A = arith.select %and3A, %sub3A_15, %div3A : i32
    %c0_i32 = arith.constant 0 : i32
    %c0_i32_16 = arith.constant 0 : i32
    %c0_i32_17 = arith.constant 0 : i32
    return %select_n3A, %c0_i32, %c0_i32_16 : i32, i32, i32
  }
  func.func @transform_4(%arg0: i32) -> (i32, i32) {
    %c0_i32 = arith.constant 0 : i32
    %c0_i32_0 = arith.constant 0 : i32
    %c0_i32_1 = arith.constant 0 : i32
    return %c0_i32, %c0_i32_0 : i32, i32
  }
  func.func @transform_5(%arg0: i32) -> (i32, i32) {
    %c0_i32 = arith.constant 0 : i32
    %c0_i32_0 = arith.constant 0 : i32
    %c0_i32_1 = arith.constant 0 : i32
    return %c0_i32, %c0_i32_0 : i32, i32
  }
  func.func @transform_6(%arg0: i32) -> (i32, i32) {
    %c0_i32 = arith.constant 0 : i32
    %c0_i32_0 = arith.constant 0 : i32
    return %arg0, %c0_i32 : i32, i32
  }
}

</mosaic_0001>

<sc_bundles>
// kernel: kernel.7.cloned.1.call-start
scs
__scs_entry_jumppad:
0x0: {  	(pc) =	sbr.rel $0x88, $3  }
0x1: {  	(tag) =	ssettag $0x0;
	lr =	simm.s32 $0x1  }
0x2: {  	[smem:$0x3F9D] =	sst lr;
	_ =	strace $0xD0000000  }
0x3: {  	_ = 	snop  }
0x4: {  	_ = 	snop  }
0x5: {  	_ = 	snop  }
0x6: {  	_ = 	snop  }
0x7: {  	_ = 	snop  }
__scs_overlays_trampoline_lowered:
0x8: {  	[smem:$0x3FAC] =	sst s0  }
0x9: {  	[smem:$0x3FAD] =	sst s1  }
0xa: {  	[smem:$0x3FAE] =	sst s2  }
0xb: {  	[smem:$0x3FAF] =	sst s3  }
0xc: {  	[smem:$0x3FB0] =	sst s4  }
0xd: {  	[smem:$0x3FB1] =	sst s5  }
0xe: {  	[smem:$0x3FB2] =	sst s6  }
0xf: {  	[smem:$0x3FB3] =	sst s7  }
0x10: {  	[smem:$0x3FB4] =	sst s8  }
0x11: {  	[smem:$0x3FB5] =	sst s9;
	s0 =	simm.s32 @!p0 $0x0  }
0x12: {  	s1 =	sld [smem:$0x3F9B];
	s0 =	simm.s32 @p0 $0x1  }
0x13: {  	[smem:$0x3FB6] =	sst s0;
	s0 =	simm.s32 @!p1 $0x0  }
0x14: {  	s2 =	sld [smem:$0x3F9A];
	s0 =	simm.s32 @p1 $0x1  }
0x15: {  	[smem:$0x3FB7] =	sst s0;
	s0 =	simm.s32 @!p2 $0x0  }
0x16: {  	s3 =	sld [smem:$0x3FDB];
	s0 =	simm.s32 @p2 $0x1  }
0x17: {  	s4 =	simm.s32 $0x1BF5;
	[smem:$0x3FB9] =	sst s0  }
0x18: {  	s0 =	sld [smem:$0x3F9C];
	_ =	swait.ge [sflag:s4], $0x0  }
0x19: {  	s7 =	sld [smem:$0x3F9D]  }
0x1a: {  	s8 =	sadd.s32 $0xFFFFE003, lr  }
0x1b: {  	s9 =	sadd.s32 $0xFFFFFEF7, lr;
	s5 =	simm.s32 $0xFFFFFFFF;
	p2 =	slt.u32 s8, $0xFFFFF086  }
0x1c: {  	p1 =	slt.u32 s9, $0xF7A;
	s5 =	simm.s32 @!p2 $0x0  }
0x1d: {  	s5 =	simm.s32 @p1 $0x1;
	p0 =	seq.s32 s7, s2  }
0x1e: {  	s7 =	smul.u32 @!p0 $0xF7A, s2;
	p2 =	seq.s32 @!p0 s5, $0x0  }
0x1f: {  	s9 =	smul.u32 $0xF7A, s1;
	s8 =	simm.s32 @!p0 $0x1BF5;
	p2 =	por !p2, p0  }
0x20: {  	[sflag:s8] =	ssyncset.s32 @!p0 $0xFFFFF086;
	s6 =	sadd.s32 @!p0 s3, s7;
	s7 =	simm.s32 @!p0 $0x108  }
0x21: {  	s3 =	sadd.s32 s3, s9;
	s6 =	sadd.s32 @!p0 $0x88, s6;
	s7 =	simm.s32 @p2 $0x1082  }
0x22: {  	[simem:s7], [sflag:s8] =	dma.local @!p0 [hbm:s6], $0xF7A  }
0x23: {  	s9 =	sor.u32 $0xD0000000, s2;
	s6 =	simm.s32 $0x108;
	_ =	swait.ge @!p0 [sflag:s8], $0x0  }
0x24: {  	s3 =	sadd.s32 $0x88, s3;
	s6 =	simm.s32 @!p1 $0x1082;
	[sflag:s4] =	ssyncset.s32 $0xFFFFF086  }
0x25: {  	[simem:s6], [sflag:s4] =	dma.local [hbm:s3], $0xF7A  }
0x26: {  	[smem:$0x3F9D] =	sst s1;
	(tag) =	ssettag s2;
	_ =	strace s9  }
0x27: {  	s1 =	sld [smem:$0x3FAD]  }
0x28: {  	s2 =	sld [smem:$0x3FAE]  }
0x29: {  	s4 =	sld [smem:$0x3FB0]  }
0x2a: {  	p0 =	seq.s32 s5, $0x0;
	s5 =	sld [smem:$0x3FB1]  }
0x2b: {  	s6 =	sld [smem:$0x3FB2]  }
0x2c: {  	s7 =	sld [smem:$0x3FB3]  }
0x2d: {  	s3 =	simm.s32 $0x108;
	s8 =	sld [smem:$0x3FB4]  }
0x2e: {  	s3 =	simm.s32 @!p0 $0x1082;
	s9 =	sld [smem:$0x3FB5]  }
0x2f: {  	lr =	sadd.s32 s0, s3;
	s0 =	sld [smem:$0x3FAC]  }
0x30: {  	s3 =	sld [smem:$0x3FAF]  }
0x31: {  	[smem:$0x3FB8] =	sst s10  }
0x32: {  	s10 =	sld [smem:$0x3FB6];
	_ =	sdelay $0x3  }
0x33: {  	p0 =	seq.s32 s10, $0x1;
	s10 =	sld [smem:$0x3FB8];
	_ =	sdelay $0x3  }
0x34: {  	[smem:$0x3FB8] =	sst s10  }
0x35: {  	s10 =	sld [smem:$0x3FB7];
	_ =	sdelay $0x3  }
0x36: {  	p1 =	seq.s32 s10, $0x1;
	s10 =	sld [smem:$0x3FB8];
	_ =	sdelay $0x3  }
0x37: {  	[smem:$0x3FB8] =	sst s10  }
0x38: {  	s10 =	sld [smem:$0x3FB9]  }
0x39: {  	_ = 	snop;
	(pc) =	sbr.ind lr, $3  }
0x3a: {  	_ = 	snop  }
0x3b: {  	_ = 	snop  }
0x3c: {  	p2 =	seq.s32 s10, $0x1;
	s10 =	sld [smem:$0x3FB8]  }
0x3d: {  	_ =	shalt  }
0x3e: {  	_ =	shalt  }
0x3f: {  	_ =	shalt  }
0x40: {  	_ =	shalt  }
0x41: {  	_ =	shalt  }
0x42: {  	_ =	shalt  }
0x43: {  	_ =	shalt  }
0x44: {  	_ =	shalt  }
0x45: {  	_ =	shalt  }
0x46: {  	_ =	shalt  }
0x47: {  	_ =	shalt  }
0x48: {  	_ =	shalt  }
0x49: {  	_ =	shalt  }
0x4a: {  	_ =	shalt  }
0x4b: {  	_ =	shalt  }
0x4c: {  	_ =	shalt  }
0x4d: {  	_ =	shalt  }
0x4e: {  	_ =	shalt  }
0x4f: {  	_ =	shalt  }
0x50: {  	_ =	shalt  }
0x51: {  	_ =	shalt  }
0x52: {  	_ =	shalt  }
0x53: {  	_ =	shalt  }
0x54: {  	_ =	shalt  }
0x55: {  	_ =	shalt  }
0x56: {  	_ =	shalt  }
0x57: {  	_ =	shalt  }
0x58: {  	_ =	shalt  }
0x59: {  	_ =	shalt  }
0x5a: {  	_ =	shalt  }
0x5b: {  	_ =	shalt  }
0x5c: {  	_ =	shalt  }
0x5d: {  	_ =	shalt  }
0x5e: {  	_ =	shalt  }
0x5f: {  	_ =	shalt  }
0x60: {  	_ =	shalt  }
0x61: {  	_ =	shalt  }
0x62: {  	_ =	shalt  }
0x63: {  	_ =	shalt  }
0x64: {  	_ =	shalt  }
0x65: {  	_ =	shalt  }
0x66: {  	_ =	shalt  }
0x67: {  	_ =	shalt  }
0x68: {  	_ =	shalt  }
0x69: {  	_ =	shalt  }
0x6a: {  	_ =	shalt  }
0x6b: {  	_ =	shalt  }
0x6c: {  	_ =	shalt  }
0x6d: {  	_ =	shalt  }
0x6e: {  	_ =	shalt  }
0x6f: {  	_ =	shalt  }
0x70: {  	_ =	shalt  }
0x71: {  	_ =	shalt  }
0x72: {  	_ =	shalt  }
0x73: {  	_ =	shalt  }
0x74: {  	_ =	shalt  }
0x75: {  	_ =	shalt  }
0x76: {  	_ =	shalt  }
0x77: {  	_ =	shalt  }
0x78: {  	_ =	shalt  }
0x79: {  	_ =	shalt  }
0x7a: {  	_ =	shalt  }
0x7b: {  	_ =	shalt  }
0x7c: {  	_ =	shalt  }
0x7d: {  	_ =	shalt  }
0x7e: {  	_ =	shalt  }
0x7f: {  	_ =	shalt  }
0x80: {  	_ =	shalt  }
0x81: {  	_ =	shalt  }
0x82: {  	_ =	shalt  }
0x83: {  	_ =	shalt  }
0x84: {  	_ =	shalt  }
0x85: {  	_ =	shalt  }
0x86: {  	_ =	shalt  }
0x87: {  	_ =	shalt  }
.Lfunc_end0:
.L_simem_size_0:
called_computation_lowered:
.L_overlay_start_0:
0x88: {  	s2 =	sld [smem:$0x3FD9]  }
0x89: {  	s3 =	sld [smem:$0x3FFE];
	_ =	sdelay $0x1  }
0x8a: {  	s1 =	srdreg.scid  }
0x8b: {  	s0 =	sand.u32 $0x1, s1  }
0x8c: {  	s14 =	sshll.u32 s0, $0xA;
	s2 =	sadd.s32 s3, s2  }
0x8d: {  	s2 =	sadd.s32 s2, s14  }
0x8e: {  	[smem:$0x3FC4] =	sst s2  }
0x8f: {  	_ = 	snop  }
0x90: {  	s2 =	sld [smem:$0x3FD0];
	_ =	sdelay $0x2  }
0x91: {  	s15 =	simm.s32 $0xA;
	s4 =	simm.s32 $0x10  }
0x92: {  	[smem:s4], [sflag:s15] =	dma.local [hbm:s2], $0x1  }
0x93: {  	_ =	swait.eq [sflag:s15], $0x1  }
0x94: {  	[sflag:s15] =	ssyncset.done $0x0  }
0x95: {  	[sflag:s15] =	ssyncadd.s32 $0xFFFFFFFF  }
0x96: {  	s16 =	sld [smem:$0x11];
	(tm) =	ssettm $0x1  }
0x97: {  	s17 =	sld [smem:$0x3FFB];
	_ =	sdelay $0x3  }
0x98: {  	_ =	strace s17  }
0x99: {  	s3 =	sld [smem:$0x3FFC];
	_ =	sdelay $0x3  }
0x9a: {  	_ =	strace s3  }
0x9b: {  	s3 =	sld [smem:$0x3FFD];
	_ =	sdelay $0x3  }
0x9c: {  	_ =	strace s3  }
0x9d: {  	_ =	strace $0x8FFFFFFF  }
0x9e: {  	s18 =	sld [smem:$0x3FDB];
	_ =	sdelay $0x1  }
0x9f: {  	s19 =	simm.s32 $_scs_section_size  }
0xa0: {  	s5 =	simm.s32 $_size__tile_overlayer_lowered;
	s6 =	simm.s32 $_tile_overlayer_lowered  }
0xa1: {  	s22 =	simm.s32 $0x1BFF;
	s21 =	sshll.u32 s6, $0x1;
	s3 =	sadd.s32 s19, s18  }
0xa2: {  	s7 =	simm.s32 $0x0;
	s20 =	sshll.u32 s5, $0x1;
	s5 =	sadd.s32 s21, s3  }
0xa3: {  	[timem:s7], [sflag:s22] =	dma.local [hbm:s5], s20  }
0xa4: {  	_ =	swait.ge [sflag:s22], s20  }
0xa5: {  	s4 =	ssub.s32 $0x0, s20;
	[sflag:s22] =	ssyncset.done $0x0  }
0xa6: {  	[sflag:s22] =	ssyncadd.s32 s4;
	_ =	sdelay $0x1  }
0xa7: {  	s23 =	simm.s32 $0x1B8B  }
0xa8: {  	_ =	swait.ge [sflag:s23], $0x1  }
0xa9: {  	[sflag:s23] =	ssyncset.done $0x0  }
0xaa: {  	s25 =	simm.s32 $0x1B8E;
	s24 =	sld [smem:$0x3FFE];
	[sflag:s23] =	ssyncadd.s32 $0xFFFFFFFF  }
0xab: {  	s26 =	simm.s32 $execute0_lowered;
	[smem:$0x3FD2] =	sst s25  }
0xac: {  	s5 =	sshll.u32 s26, $0x1;
	_ =	strace $0x80000046;
	[dreg:$0x1] =	wrdreg $0xFFFFFFFF  }
0xad: {  	s28 =	simm.s32 $_size_execute0_lowered;
	s3 =	sadd.s32 s3, s5;
	[dreg:$0x0] =	wrdreg $0x0  }
0xae: {  	s5 =	sshll.u32 s28, $0x1;
	[dreg:$0x2] =	wrdreg s3  }
0xaf: {  	[dreg:$0x3] =	wrdreg s5  }
0xb0: {  	[dreg:$0x4] =	wrdreg $0xC0  }
0xb1: {  	_ =	task [dreg:s7], $0x5FFFF  }
0xb2: {  	[dreg:$0x1] =	wrdreg $0xFFFFFFFF  }
0xb3: {  	[dreg:$0x0] =	wrdreg $0x60  }
0xb4: {  	[dreg:$0x2] =	wrdreg s16  }
0xb5: {  	[dreg:$0x3] =	wrdreg s24  }
0xb6: {  	[dreg:$0x4] =	wrdreg $0x9  }
0xb7: {  	_ =	task.clear_ibuf [dreg:s7], $0x5FFFF;
	_ =	strace $0x90000046  }
0xb8: {  	s29 =	simm.s32 $0x9;
	_ =	strace $0x80000048  }
0xb9: {  	_ =	swait.ge [sflag:s29], $0x1  }
0xba: {  	[sflag:s29] =	ssyncadd.s32 $0xFFFFFFFF  }
0xbb: {  	_ =	strace $0x90000048  }
0xbc: {  	_ =	sfence  }
0xbd: {  	s30 =	sld [smem:$0x0];
	_ =	sdelay $0x2  }
0xbe: {  	s31 =	sshll.u32 s1, $0xD;
	s1 =	sshrl.u32 s1, $0x2  }
0xbf: {  	s3 =	sand.u32 $0x4000, s31;
	s1 =	sadd.s32 s1, s30  }
0xc0: {  	s0 =	sor.u32 s3, s0;
	s1 =	sshll.u32 s1, $0x11  }
0xc1: {  	s0 =	sor.u32 s1, s0  }
0xc2: {  	s0 =	sadd.s32 $0x8F2B, s0  }
0xc3: {  	[sflag:s0] =	ssyncadd.remote.s32 $0x1  }
0xc4: {  	_ =	sfence.sel $0xFFFF  }
0xc5: {  	[dreg:$0x0] =	wrdreg $0xFFFFFFFF;
	(pc) =	sbr.abs _section_cstart, $3  }
0xc6: {  	[dreg:$0x1] =	wrdreg $0xFFFFFFFF  }
0xc7: {  	_ =	task.clear_ibuf [dreg:s7], $0x2FFFF;
	_ =	strace $0x9FFFFFFF  }
0xc8: {  	(tm) =	ssettm $0x7FFFFFFF  }
0xc9: {  	_ =	shalt  }
tec
execute0_lowered:
.L_overlay_start_1:
0x0: {  	(tag) =	ssettag $0x1  }
0x1: {  	s2 =	rddreg [dreg:$0x0]  }
0x2: {  	s6 =	rddreg [dreg:$0x1]  }
0x3: {  	s0 =	rddreg [dreg:$0x2];
	s4 =	srdreg.scid  }
0x4: {  	s1 =	stileid.u32;
	s3 =	simm.s32 $0x0;
	s16 =	simm.s32 $0x1  }
0x5: {  	s18 =	simm.s32 $0x4080;
	s19 =	simm.s32 $0x0;
	s7 =	sand.u32 $0x1, s4  }
0x6: {  	s28 =	sshll.u32 s1, $0x1;
	[smem:$0x7FF] =	sst s3;
	s4 =	sadd.s32 $0x1A00, s6  }
0x7: {  	s12 =	sadd.s32 $0x81A00, s6;
	s5 =	sadd.s32 $0x81E00, s6;
	s13 =	sadd.s32 $0x29C00, s6  }
0x8: {  	s14 =	sshll.u32 s1, $0xB;
	s10 =	sor.u32 s7, s28;
	_ =	strace $0x80000047  }
0x9: {  	s7 =	ssub.s32 $0x2, s7;
	s17 =	sand.u32 $0x7000, s14;
	s11 =	sshll.u32 s10, $0xC  }
0xa: {  	s9 =	sshll.u32 s10, $0x4;
	s29 =	sshrl.u32 s7, $0x1;
	s30 =	sshll.u32 s10, $0x8  }
0xb: {  	v0 =	vmov s17;
	s17 =	simm.s32 $0xC080;
	s8 =	sadd.s32 s11, s6;
	s9 =	sadd.s32 s9, s6  }
0xc: {  	s15 =	ssub.s32 s7, s29;
	s6 =	sshll.u32 s10, $0xD;
	s10 =	sshll.u32 s10, $0x5  }
0xd: {  	s14 =	sor.u32 $0x80, s30;
	s11 =	sadd.s32 s13, s11;
	s7 =	sadd.s32 $0x9A00, s9  }
0xe: {  	s8 =	sadd.s32 $0x9C00, s8;
	s9 =	smax.u32 s15, $0x1;
	s10 =	sadd.s32 s12, s10  }
0xf: {  	s31 =	sshrl.u32 s14, $0x3;
	s14 =	sshll.u32 s14, $0x4;
	s15 =	simm.s32 $0x80  }
0x10: {  	s12 =	sadd.s32 s12, s31;
	s13 =	sadd.s32 s13, s14;
	s14 =	simm.s32 $0x2  }
.LBB2_1:
0x11: {  	s20 =	simm.s32 $0x40;
	s21 =	simm.s32 $0x0;
	v2 =	vimm.f32 $0.0e+00  }
.LBB2_2:
0x12: {  	p0 =	sne.s32 s20, $0x1FFC0;
	[tilespmem:s21+$0x4080] =	vst v2;
	s21 =	smov.u32 s20;
	s20 =	sadd.s32 $0x40, s20  }
.Ltmp0:
0x13: {  	(pc) =	sbr.rel @p0 .LBB2_2-.Ltmp0, $2  }
0x14: {  	_ =	sdelay $0x2  }
0x15: {  	s21 =	sshra.s32 s21, $0x2  }
0x16: {  	[tilespmem:s21+$0x4080] =	vst v2;
	s20 =	simm.s32 $0x0;
	s21 =	simm.s32 $0x0  }
.LBB2_4:
0x17: {  	s22 =	sshll.u32 s21, $0x7  }
0x18: {  	s22 =	sadd.s32 s6, s22  }
0x19: {  	s23 =	sshrl.u32 s22, $0x3  }
0x1a: {  	s23 =	sadd.s32 s4, s23  }
0x1b: {  	[tilespmem:s20], [sflag:$0x2] =	stream.linear.gather [hbm4b:s23+s20], $0x80, $0x38;
	[tilespmem:$0xC100] =	vst v63  }
0x1c: {  	_ =	swait.ge [sflag:s14], $0x80  }
0x1d: {  	[sflag:s14] =	ssyncset.done $0x0  }
0x1e: {  	[sflag:s14] =	ssyncadd.s32 $0xFFFFFF80  }
0x1f: {  	v1 =	vld [tilespmem:$0x0]  }
0x20: {  	v3 =	vld [tilespmem:$0x10]  }
0x21: {  	v4 =	vld [tilespmem:$0x20]  }
0x22: {  	v5 =	vld [tilespmem:$0x30]  }
0x23: {  	v6 =	vld [tilespmem:$0x40]  }
0x24: {  	v7 =	vld [tilespmem:$0x50];
	v1 =	vadd.s32 v0, v1  }
0x25: {  	[tilespmem:$0x0] =	vst v1;
	v1 =	vadd.s32 v0, v3;
	v3 =	vld [tilespmem:$0x60]  }
0x26: {  	[tilespmem:$0x10] =	vst v1;
	v1 =	vadd.s32 v0, v4;
	v4 =	vld [tilespmem:$0x70]  }
0x27: {  	[tilespmem:$0x20] =	vst v1;
	v1 =	vadd.s32 v0, v5  }
0x28: {  	[tilespmem:$0x30] =	vst v1;
	v1 =	vadd.s32 v0, v6  }
0x29: {  	[tilespmem:$0x40] =	vst v1;
	v1 =	vadd.s32 v0, v7  }
0x2a: {  	[tilespmem:$0x50] =	vst v1;
	v1 =	vadd.s32 v0, v3  }
0x2b: {  	[tilespmem:$0x60] =	vst v1;
	v1 =	vadd.s32 v0, v4  }
0x2c: {  	s31 =	sshll.u32 s21, $0x9;
	[tilespmem:$0x70] =	vst v1  }
0x2d: {  	[tilespmem:s15], [sflag:$0x1] =	stream.indirect.gather [hbm4b:s2+s15], $0x80, s20, s15, $0xb8;
	[tilespmem:$0xC100] =	vst v63  }
0x2e: {  	s23 =	sand.u32 $0x3FFFFE00, s31;
	_ =	swait.ge [sflag:s16], $0x4000  }
0x2f: {  	s22 =	sshll.u32 s22, $0x4;
	s23 =	sadd.s32 $0x4080, s23;
	[sflag:s16] =	ssyncset.done $0x0  }
0x30: {  	s22 =	sadd.s32 s5, s22;
	v1 =	vmov s23;
	[sflag:s16] =	ssyncadd.s32 $0xFFFFC000  }
0x31: {  	[hbm4b:s22+s20] =	stream.linear.scatter [tilespmem:s15], [sflag:$0x2], $0x4000, $0x38;
	[tilespmem:$0xC100] =	vst v63  }
0x32: {  	_ =	swait.ge [sflag:s14], $0x4000  }
0x33: {  	[sflag:s14] =	ssyncset.done $0x0  }
0x34: {  	s23 =	sand.u32 $0x180, s20;
	[sflag:s14] =	ssyncadd.s32 $0xFFFFC000  }
0x35: {  	s22 =	simm.s32 $0xC0;
	v3 =	vld.idx.msk [tilespmem:v1+s23+$0x0 ss:$0x1], $0xffff  }
0x36: {  	v4 =	vld [tilespmem:s22+$0xFFFFFFC0];
	_ =	sdelay $0x4  }
0x37: {  	v3 =	vadd.f32 v3, v4;
	_ =	sdelay $0x1  }
0x38: {  	[tilespmem:v1+s23+$0x0 ss:$0x1] =	vst.idx.msk $0xffff, v3  }
0x39: {  	v3 =	vld.idx.msk [tilespmem:v1+s23+$0x10 ss:$0x1], $0xffff  }
0x3a: {  	v5 =	vld [tilespmem:s22+$0xFFFFFFD0];
	_ =	sdelay $0x4  }
0x3b: {  	v3 =	vadd.f32 v3, v5;
	_ =	sdelay $0x1  }
0x3c: {  	[tilespmem:v1+s23+$0x10 ss:$0x1] =	vst.idx.msk $0xffff, v3  }
0x3d: {  	v3 =	vld.idx.msk [tilespmem:v1+s23+$0x20 ss:$0x1], $0xffff  }
0x3e: {  	v6 =	vld [tilespmem:s22+$0xFFFFFFE0];
	_ =	sdelay $0x4  }
0x3f: {  	v3 =	vadd.f32 v3, v6;
	_ =	sdelay $0x1  }
0x40: {  	[tilespmem:v1+s23+$0x20 ss:$0x1] =	vst.idx.msk $0xffff, v3  }
0x41: {  	v3 =	vld.idx.msk [tilespmem:v1+s23+$0x30 ss:$0x1], $0xffff  }
0x42: {  	v7 =	vld [tilespmem:s22+$0xFFFFFFF0];
	_ =	sdelay $0x4  }
0x43: {  	v3 =	vadd.f32 v3, v7;
	_ =	sdelay $0x1  }
0x44: {  	[tilespmem:v1+s23+$0x30 ss:$0x1] =	vst.idx.msk $0xffff, v3  }
0x45: {  	v3 =	vld.idx.msk [tilespmem:v1+s23+$0x40 ss:$0x1], $0xffff  }
0x46: {  	v8 =	vld [tilespmem:s22+$0x0];
	_ =	sdelay $0x4  }
0x47: {  	v3 =	vadd.f32 v3, v8;
	_ =	sdelay $0x1  }
0x48: {  	[tilespmem:v1+s23+$0x40 ss:$0x1] =	vst.idx.msk $0xffff, v3  }
0x49: {  	v3 =	vld.idx.msk [tilespmem:v1+s23+$0x50 ss:$0x1], $0xffff  }
0x4a: {  	v9 =	vld [tilespmem:s22+$0x10];
	_ =	sdelay $0x4  }
0x4b: {  	v3 =	vadd.f32 v3, v9;
	_ =	sdelay $0x1  }
0x4c: {  	[tilespmem:v1+s23+$0x50 ss:$0x1] =	vst.idx.msk $0xffff, v3  }
0x4d: {  	v3 =	vld.idx.msk [tilespmem:v1+s23+$0x60 ss:$0x1], $0xffff  }
0x4e: {  	v4 =	vmul.f32 v4, v4;
	v10 =	vld [tilespmem:s22+$0x20];
	_ =	sdelay $0x1  }
0x4f: {  	v2 =	vadd.f32 v4, v2;
	v5 =	vmul.f32 v5, v5;
	_ =	sdelay $0x1  }
0x50: {  	v2 =	vadd.f32 v5, v2;
	v4 =	vmul.f32 v6, v6  }
0x51: {  	v3 =	vadd.f32 v3, v10  }
0x52: {  	v2 =	vadd.f32 v4, v2;
	v5 =	vmul.f32 v7, v7  }
0x53: {  	[tilespmem:v1+s23+$0x60 ss:$0x1] =	vst.idx.msk $0xffff, v3  }
0x54: {  	v2 =	vadd.f32 v5, v2;
	v3 =	vmul.f32 v8, v8;
	v4 =	vld.idx.msk [tilespmem:v1+s23+$0x70 ss:$0x1], $0xffff  }
0x55: {  	v5 =	vld [tilespmem:s22+$0x30]  }
0x56: {  	v6 =	vmul.f32 v9, v9;
	v2 =	vadd.f32 v3, v2;
	_ =	sdelay $0x1  }
0x57: {  	v3 =	vmul.f32 v10, v10;
	v2 =	vadd.f32 v6, v2  }
0x58: {  	s25 =	simm.s32 $0x4  }
0x59: {  	s24 =	simm.s32 $0x8;
	s26 =	sand.u32 $0x180, s25;
	v2 =	vadd.f32 v3, v2;
	v4 =	vadd.f32 v4, v5;
	v3 =	vmul.f32 v5, v5  }
.LBB2_5:
0x5a: {  	p0 =	sne.s32 s24, $0x1FC;
	s22 =	sadd.s32 $0x80, s22  }
0x5b: {  	v5 =	vld.idx.msk [tilespmem:v1+s26+$0x0 ss:$0x1], $0xffff;
	[tilespmem:v1+s23+$0x70 ss:$0x1] =	vst.idx.msk $0xffff, v4;
	v2 =	vadd.f32 v3, v2;
	s25 =	smov.u32 s24;
	s24 =	sadd.s32 $0x4, s24;
	s23 =	smov.u32 s26  }
0x5c: {  	v3 =	vld [tilespmem:s22+$0xFFFFFFC0];
	_ =	sdelay $0x4  }
0x5d: {  	v4 =	vadd.f32 v5, v3;
	v3 =	vmul.f32 v3, v3;
	_ =	sdelay $0x1  }
0x5e: {  	[tilespmem:v1+s23+$0x0 ss:$0x1] =	vst.idx.msk $0xffff, v4  }
0x5f: {  	v4 =	vld.idx.msk [tilespmem:v1+s23+$0x10 ss:$0x1], $0xffff  }
0x60: {  	v5 =	vld [tilespmem:s22+$0xFFFFFFD0];
	_ =	sdelay $0x4  }
0x61: {  	v4 =	vadd.f32 v4, v5;
	v5 =	vmul.f32 v5, v5;
	_ =	sdelay $0x1  }
0x62: {  	[tilespmem:v1+s23+$0x10 ss:$0x1] =	vst.idx.msk $0xffff, v4  }
0x63: {  	v4 =	vld.idx.msk [tilespmem:v1+s23+$0x20 ss:$0x1], $0xffff  }
0x64: {  	v6 =	vld [tilespmem:s22+$0xFFFFFFE0];
	_ =	sdelay $0x4  }
0x65: {  	v4 =	vadd.f32 v4, v6;
	v6 =	vmul.f32 v6, v6;
	_ =	sdelay $0x1  }
0x66: {  	[tilespmem:v1+s23+$0x20 ss:$0x1] =	vst.idx.msk $0xffff, v4  }
0x67: {  	v4 =	vld.idx.msk [tilespmem:v1+s23+$0x30 ss:$0x1], $0xffff  }
0x68: {  	v7 =	vld [tilespmem:s22+$0xFFFFFFF0];
	_ =	sdelay $0x4  }
0x69: {  	v4 =	vadd.f32 v4, v7;
	v7 =	vmul.f32 v7, v7;
	_ =	sdelay $0x1  }
0x6a: {  	[tilespmem:v1+s23+$0x30 ss:$0x1] =	vst.idx.msk $0xffff, v4  }
0x6b: {  	v4 =	vld.idx.msk [tilespmem:v1+s23+$0x40 ss:$0x1], $0xffff  }
0x6c: {  	v8 =	vld [tilespmem:s22+$0x0];
	_ =	sdelay $0x4  }
0x6d: {  	v4 =	vadd.f32 v4, v8;
	v8 =	vmul.f32 v8, v8;
	_ =	sdelay $0x1  }
0x6e: {  	[tilespmem:v1+s23+$0x40 ss:$0x1] =	vst.idx.msk $0xffff, v4  }
0x6f: {  	v4 =	vld.idx.msk [tilespmem:v1+s23+$0x50 ss:$0x1], $0xffff  }
0x70: {  	v9 =	vld [tilespmem:s22+$0x10];
	_ =	sdelay $0x4  }
0x71: {  	v4 =	vadd.f32 v4, v9;
	v9 =	vmul.f32 v9, v9;
	_ =	sdelay $0x1  }
0x72: {  	[tilespmem:v1+s23+$0x50 ss:$0x1] =	vst.idx.msk $0xffff, v4  }
0x73: {  	v4 =	vld.idx.msk [tilespmem:v1+s23+$0x60 ss:$0x1], $0xffff  }
0x74: {  	v10 =	vld [tilespmem:s22+$0x20];
	_ =	sdelay $0x1  }
0x75: {  	v2 =	vadd.f32 v3, v2;
	_ =	sdelay $0x1  }
0x76: {  	v2 =	vadd.f32 v5, v2  }
0x77: {  	v3 =	vadd.f32 v4, v10;
	v4 =	vmul.f32 v10, v10  }
0x78: {  	v2 =	vadd.f32 v6, v2  }
0x79: {  	[tilespmem:v1+s23+$0x60 ss:$0x1] =	vst.idx.msk $0xffff, v3  }
0x7a: {  	v2 =	vadd.f32 v7, v2;
	v3 =	vld.idx.msk [tilespmem:v1+s23+$0x70 ss:$0x1], $0xffff  }
0x7b: {  	v5 =	vld [tilespmem:s22+$0x30]  }
0x7c: {  	v2 =	vadd.f32 v8, v2  }
.Ltmp1:
0x7d: {  	(pc) =	sbr.rel @p0 .LBB2_5-.Ltmp1, $3  }
0x7e: {  	v2 =	vadd.f32 v9, v2;
	_ =	sdelay $0x1  }
0x7f: {  	v2 =	vadd.f32 v4, v2;
	v4 =	vadd.f32 v3, v5;
	v3 =	vmul.f32 v5, v5  }
0x80: {  	s26 =	sand.u32 $0x180, s25  }
0x81: {  	_ =	sdelay $0x3  }
0x82: {  	v5 =	vld.idx.msk [tilespmem:v1+s26+$0x0 ss:$0x1], $0xffff;
	[tilespmem:v1+s23+$0x70 ss:$0x1] =	vst.idx.msk $0xffff, v4;
	s22 =	sadd.s32 $0x80, s22  }
0x83: {  	v4 =	vld [tilespmem:s22+$0xFFFFFFC0];
	_ =	sdelay $0x4  }
0x84: {  	v5 =	vadd.f32 v5, v4;
	_ =	sdelay $0x1  }
0x85: {  	[tilespmem:v1+s26+$0x0 ss:$0x1] =	vst.idx.msk $0xffff, v5  }
0x86: {  	v5 =	vld.idx.msk [tilespmem:v1+s26+$0x10 ss:$0x1], $0xffff  }
0x87: {  	v6 =	vld [tilespmem:s22+$0xFFFFFFD0];
	_ =	sdelay $0x4  }
0x88: {  	v5 =	vadd.f32 v5, v6;
	_ =	sdelay $0x1  }
0x89: {  	[tilespmem:v1+s26+$0x10 ss:$0x1] =	vst.idx.msk $0xffff, v5  }
0x8a: {  	v5 =	vld.idx.msk [tilespmem:v1+s26+$0x20 ss:$0x1], $0xffff  }
0x8b: {  	v7 =	vld [tilespmem:s22+$0xFFFFFFE0];
	_ =	sdelay $0x4  }
0x8c: {  	v5 =	vadd.f32 v5, v7;
	_ =	sdelay $0x1  }
0x8d: {  	[tilespmem:v1+s26+$0x20 ss:$0x1] =	vst.idx.msk $0xffff, v5  }
0x8e: {  	v5 =	vld.idx.msk [tilespmem:v1+s26+$0x30 ss:$0x1], $0xffff  }
0x8f: {  	v8 =	vld [tilespmem:s22+$0xFFFFFFF0];
	_ =	sdelay $0x4  }
0x90: {  	v5 =	vadd.f32 v5, v8;
	_ =	sdelay $0x1  }
0x91: {  	[tilespmem:v1+s26+$0x30 ss:$0x1] =	vst.idx.msk $0xffff, v5  }
0x92: {  	v5 =	vld.idx.msk [tilespmem:v1+s26+$0x40 ss:$0x1], $0xffff  }
0x93: {  	v9 =	vld [tilespmem:s22+$0x0];
	_ =	sdelay $0x4  }
0x94: {  	v5 =	vadd.f32 v5, v9;
	_ =	sdelay $0x1  }
0x95: {  	[tilespmem:v1+s26+$0x40 ss:$0x1] =	vst.idx.msk $0xffff, v5  }
0x96: {  	v5 =	vld.idx.msk [tilespmem:v1+s26+$0x50 ss:$0x1], $0xffff  }
0x97: {  	v10 =	vld [tilespmem:s22+$0x10];
	_ =	sdelay $0x4  }
0x98: {  	v5 =	vadd.f32 v5, v10;
	_ =	sdelay $0x1  }
0x99: {  	[tilespmem:v1+s26+$0x50 ss:$0x1] =	vst.idx.msk $0xffff, v5  }
0x9a: {  	v5 =	vld.idx.msk [tilespmem:v1+s26+$0x60 ss:$0x1], $0xffff  }
0x9b: {  	v2 =	vadd.f32 v3, v2;
	v3 =	vmul.f32 v4, v4;
	v59 =	vld [tilespmem:s22+$0x20];
	_ =	sdelay $0x1  }
0x9c: {  	v2 =	vadd.f32 v3, v2;
	v6 =	vmul.f32 v6, v6;
	_ =	sdelay $0x1  }
0x9d: {  	v2 =	vadd.f32 v6, v2;
	v3 =	vmul.f32 v7, v7  }
0x9e: {  	v5 =	vadd.f32 v5, v59  }
0x9f: {  	v2 =	vadd.f32 v3, v2;
	v60 =	vmul.f32 v8, v8  }
0xa0: {  	[tilespmem:v1+s26+$0x60 ss:$0x1] =	vst.idx.msk $0xffff, v5  }
0xa1: {  	v2 =	vadd.f32 v60, v2;
	v3 =	vmul.f32 v9, v9;
	v5 =	vld.idx.msk [tilespmem:v1+s26+$0x70 ss:$0x1], $0xffff  }
0xa2: {  	v61 =	vld [tilespmem:s22+$0x30]  }
0xa3: {  	s21 =	sadd.s32 $0x1, s21;
	v2 =	vadd.f32 v3, v2;
	v62 =	vmul.f32 v10, v10  }
0xa4: {  	p0 =	sne.s32 s21, $0x40  }
.Ltmp2:
0xa5: {  	v2 =	vadd.f32 v62, v2;
	v3 =	vmul.f32 v59, v59;
	(pc) =	sbr.rel @p0 .LBB2_4-.Ltmp2, $3  }
0xa6: {  	_ = 	snop  }
0xa7: {  	v2 =	vadd.f32 v3, v2;
	v3 =	vadd.f32 v5, v61;
	v63 =	vmul.f32 v61, v61;
	_ =	sdelay $0x1  }
0xa8: {  	[tilespmem:v1+s26+$0x70 ss:$0x1] =	vst.idx.msk $0xffff, v3;
	v2 =	vadd.f32 v63, v2  }
0xa9: {  	_ = 	snop  }
0xaa: {  	[tilespmem:$0xC080] =	vst v2  }
0xab: {  	[hbm4b:s7+s3] =	stream.linear.scatter [tilespmem:s17], [sflag:$0x2], $0x80, $0x38;
	[tilespmem:$0xC100] =	vst v63  }
0xac: {  	_ =	swait.ge [sflag:s14], $0x80  }
0xad: {  	[sflag:s14] =	ssyncset.done $0x0  }
0xae: {  	[sflag:s14] =	ssyncadd.s32 $0xFFFFFF80  }
0xaf: {  	[hbm4b:s8+s3] =	stream.linear.scatter [tilespmem:s18], [sflag:$0x2], $0x8000, $0x38;
	[tilespmem:$0xC100] =	vst v63  }
0xb0: {  	_ =	swait.ge [sflag:s14], $0x8000  }
0xb1: {  	[sflag:s14] =	ssyncset.done $0x0  }
0xb2: {  	[sflag:s14] =	ssyncadd.s32 $0xFFFF8000  }
0xb3: {  	[tilespmem:s3], [sflag:$0x2] =	stream.linear.gather [hbm4b:s10+s3], $0x80, $0x38;
	[tilespmem:$0xC100] =	vst v63  }
0xb4: {  	_ =	swait.ge [sflag:s14], $0x80  }
0xb5: {  	[sflag:s14] =	ssyncset.done $0x0  }
0xb6: {  	[sflag:s14] =	ssyncadd.s32 $0xFFFFFF80  }
0xb7: {  	v1 =	vld [tilespmem:$0x0]  }
0xb8: {  	v2 =	vld [tilespmem:$0x10]  }
0xb9: {  	v3 =	vld [tilespmem:$0x20]  }
0xba: {  	v4 =	vld [tilespmem:$0x30]  }
0xbb: {  	v5 =	vld [tilespmem:$0x40]  }
0xbc: {  	v6 =	vld [tilespmem:$0x50];
	v1 =	vadd.s32 v0, v1  }
0xbd: {  	[tilespmem:$0x0] =	vst v1;
	v1 =	vadd.s32 v0, v2;
	v2 =	vld [tilespmem:$0x60]  }
0xbe: {  	[tilespmem:$0x10] =	vst v1;
	v1 =	vadd.s32 v0, v3;
	v3 =	vld [tilespmem:$0x70]  }
0xbf: {  	[tilespmem:$0x20] =	vst v1;
	v1 =	vadd.s32 v0, v4  }
0xc0: {  	[tilespmem:$0x30] =	vst v1;
	v1 =	vadd.s32 v0, v5  }
0xc1: {  	[tilespmem:$0x40] =	vst v1;
	v1 =	vadd.s32 v0, v6  }
0xc2: {  	[tilespmem:$0x50] =	vst v1;
	v1 =	vadd.s32 v0, v2  }
0xc3: {  	[tilespmem:$0x60] =	vst v1;
	v1 =	vadd.s32 v0, v3  }
0xc4: {  	[tilespmem:$0x70] =	vst v1  }
0xc5: {  	[tilespmem:s15], [sflag:$0x1] =	stream.indirect.gather [hbm4b:s2+s15], $0x80, s3, s15, $0xb8;
	[tilespmem:$0xC100] =	vst v63  }
0xc6: {  	_ =	swait.ge [sflag:s16], $0x4000  }
0xc7: {  	[sflag:s16] =	ssyncset.done $0x0  }
0xc8: {  	[sflag:s16] =	ssyncadd.s32 $0xFFFFC000  }
0xc9: {  	[hbm4b:s11+s3] =	stream.linear.scatter [tilespmem:s15], [sflag:$0x2], $0x4000, $0x38;
	[tilespmem:$0xC100] =	vst v63  }
0xca: {  	_ =	swait.ge [sflag:s14], $0x4000  }
0xcb: {  	[sflag:s14] =	ssyncset.done $0x0  }
0xcc: {  	[sflag:s14] =	ssyncadd.s32 $0xFFFFC000  }
0xcd: {  	[tilespmem:s3], [sflag:$0x2] =	stream.linear.gather [hbm4b:s12+s3], $0x80, $0x38;
	[tilespmem:$0xC100] =	vst v63  }
0xce: {  	_ =	swait.ge [sflag:s14], $0x80  }
0xcf: {  	[sflag:s14] =	ssyncset.done $0x0  }
0xd0: {  	[sflag:s14] =	ssyncadd.s32 $0xFFFFFF80  }
0xd1: {  	v1 =	vld [tilespmem:$0x0]  }
0xd2: {  	v2 =	vld [tilespmem:$0x10]  }
0xd3: {  	v3 =	vld [tilespmem:$0x20]  }
0xd4: {  	v61 =	vld [tilespmem:$0x30]  }
0xd5: {  	v62 =	vld [tilespmem:$0x40]  }
0xd6: {  	v63 =	vld [tilespmem:$0x50];
	v1 =	vadd.s32 v0, v1  }
0xd7: {  	[tilespmem:$0x0] =	vst v1;
	v1 =	vadd.s32 v0, v2;
	v2 =	vld [tilespmem:$0x60]  }
0xd8: {  	[tilespmem:$0x10] =	vst v1;
	v1 =	vadd.s32 v0, v3;
	v3 =	vld [tilespmem:$0x70]  }
0xd9: {  	[tilespmem:$0x20] =	vst v1;
	v1 =	vadd.s32 v0, v61  }
0xda: {  	[tilespmem:$0x30] =	vst v1;
	v1 =	vadd.s32 v0, v62  }
0xdb: {  	[tilespmem:$0x40] =	vst v1;
	v1 =	vadd.s32 v0, v63  }
0xdc: {  	[tilespmem:$0x50] =	vst v1;
	v1 =	vadd.s32 v0, v2  }
0xdd: {  	[tilespmem:$0x60] =	vst v1;
	v1 =	vadd.s32 v0, v3  }
0xde: {  	[tilespmem:$0x70] =	vst v1  }
0xdf: {  	[tilespmem:s15], [sflag:$0x1] =	stream.indirect.gather [hbm4b:s2+s15], $0x80, s3, s15, $0xb8;
	[tilespmem:$0xC100] =	vst v63  }
0xe0: {  	s19 =	sadd.s32 $0x1, s19;
	_ =	swait.ge [sflag:s16], $0x4000  }
0xe1: {  	p0 =	sne.s32 s19, s9;
	[sflag:s16] =	ssyncset.done $0x0  }
.Ltmp3:
0xe2: {  	[sflag:s16] =	ssyncadd.s32 $0xFFFFC000;
	(pc) =	sbr.rel @p0 .LBB2_1-.Ltmp3, $4  }
0xe3: {  	[hbm4b:s13+s3] =	stream.linear.scatter [tilespmem:s15], [sflag:$0x2], $0x4000, $0x38;
	[tilespmem:$0xC100] =	vst v63  }
0xe4: {  	_ =	swait.ge [sflag:s14], $0x4000  }
0xe5: {  	[sflag:s14] =	ssyncset.done $0x0  }
0xe6: {  	[sflag:s14] =	ssyncadd.s32 $0xFFFFC000  }
0xe7: {  	_ =	sfence.sel $0x180000  }
0xe8: {  	[bflag:$0x0] =	sbarrier.arrive $0xFFFF  }
0xe9: {  	p0 =	sne.s32 s1, $0x0;
	_ =	strace $0x90000047  }
0xea: {  	s0 =	sadd.s32 @!p0 $0x100000, s0;
	[bflag:$0x2] =	sbarrier.arrive $0xFFFF  }
0xeb: {  	[sflag:s0] =	ssyncadd.tile.s32 @!p0 $0x1;
	_ =	shalt  }
.Lfunc_end2:
_tile_overlayer_lowered:
.L_overlay_start_2:
0xec: {  	(tag) =	ssettag $0x2  }
0xed: {  	s0 =	rddreg [dreg:$0x0];
	s2 =	stileid.u32  }
0xee: {  	s1 =	rddreg [dreg:$0x1];
	p0 =	sne.s32 s2, $0x0  }
0xef: {  	s3 =	rddreg [dreg:$0x2];
	[bflag:$0x3] =	sbarrier.arrive $0xFFFF;
	s2 =	simm.s32 @!p0 $0x1C02  }
0xf0: {  	[timem:s3], [sflag:s2] =	dma.local @!p0 [hbm:s0], s1  }
0xf1: {  	s0 =	simm.s32 @!p0 $0x2  }
0xf2: {  	_ =	swait.ge @!p0 [sflag:s0], s1  }
0xf3: {  	s1 =	ssub.s32 @!p0 $0x0, s1;
	[sflag:s0] =	ssyncset.done @!p0 $0x0  }
0xf4: {  	[sflag:s0] =	ssyncadd.s32 @!p0 s1  }
0xf5: {  	[bflag:$0x3] =	sbarrier.arrive $0xFFFF  }
0xf6: {  	_ =	shalt  }

</sc_bundles>
